<compile_context>
chip_gen: v7x
topology: tpu7x:2x2x1
jax: 0.10.2.dev20260603
libtpu: 0.0.44.dev20260713+nightly
codegen_flags: <defaults>
</compile_context>

<pallas_src>
import functools

import jax
import jax.numpy as jnp
from jax import lax
from jax.experimental import pallas as pl
from jax.experimental.pallas import tpu as pltpu
from jax.experimental.pallas import tpu_sc as plsc

_B, _L, _D = 4, 2048, 1024
_NC, _NS = 2, 16
_NW = _NC * _NS
_RW = _L // _NW
_CH = 16
_NCH = _RW // _CH
_CW = _CH * _D
_NBUF = 3
_LANES = 16
_PAIRS = [(3, 0)]


def _sc_body(x_hbm, pe_hbm, out_hbm, pe_v, *scratch):
    xbuf = scratch[:_NBUF]
    s_pe = scratch[_NBUF]
    sems = scratch[_NBUF + 1:]
    s_in, s_out = sems[:_NBUF], sems[_NBUF:]
    wid = lax.axis_index("s") * _NC + lax.axis_index("c")
    base = wid * (_RW * _D)

    def in_copy(i):
        b, c = _PAIRS[i]
        return pltpu.make_async_copy(
            x_hbm.at[b, pl.ds(base + c * _CW, _CW)],
            xbuf[i % _NBUF],
            s_in[i % _NBUF],
        )

    def out_copy(i):
        b, c = _PAIRS[i]
        return pltpu.make_async_copy(
            xbuf[i % _NBUF],
            out_hbm.at[b, pl.ds(base + c * _CW, _CW)],
            s_out[i % _NBUF],
        )

    pltpu.make_async_copy(
        pe_hbm.at[pl.ds(base, _RW * _D)], pe_v, s_pe
    ).start()
    for i in range(min(2, len(_PAIRS))):
        in_copy(i).start()
    pltpu.make_async_copy(
        pe_hbm.at[pl.ds(base, _RW * _D)], pe_v, s_pe
    ).wait()

    n = len(_PAIRS)
    for i in range(n):
        in_copy(i).wait()
        buf = xbuf[i % _NBUF]
        pe_off = _PAIRS[i][1] * _CW

        @plsc.parallel_loop(0, _CW, step=_LANES, unroll=8)
        def vec_body(o, pe_off=pe_off, buf=buf):
            buf[pl.ds(o, _LANES)] = (
                buf[pl.ds(o, _LANES)] + pe_v[pl.ds(pe_off + o, _LANES)]
            )

        out_copy(i).start()
        if i + 2 < n:
            if i >= 1:
                out_copy(i - 1).wait()
            in_copy(i + 2).start()
    for i in range(max(0, n - _NBUF), n):
        out_copy(i).wait()


def kernel(x, pe):
    mesh = plsc.VectorSubcoreMesh(core_axis_name="c", subcore_axis_name="s")
    sc_add = functools.partial(
        pl.kernel,
        mesh=mesh,
        out_type=jax.ShapeDtypeStruct((_B, _L * _D), jnp.float32),
        scratch_types=(
            [
                pltpu.VMEM((_RW * _D,), jnp.float32),
            ]
            + [pltpu.VMEM((_CW,), jnp.float32)] * _NBUF
            + [pltpu.SemaphoreType.DMA] * (1 + 2 * _NBUF)
        ),
    )(_sc_body)
    def _tc_body(x_ref, pe_ref, o_ref):
        o_ref[...] = x_ref[...] + pe_ref[...]

    tc_out = pl.pallas_call(
        _tc_body,
        grid=(1, 3),
        in_specs=[
            pl.BlockSpec((1, _L, _D), lambda i, j: (j, i, 0)),
            pl.BlockSpec((_L, _D), lambda i, j: (i, 0)),
        ],
        out_specs=pl.BlockSpec((1, _L, _D), lambda i, j: (j, i, 0)),
        out_shape=jax.ShapeDtypeStruct((3, _L, _D), jnp.float32),
    )(x, pe)
    sc_out = sc_add(x.reshape(_B, _L * _D), pe.reshape(_L * _D))
    return tc_out, sc_out.reshape(_B, _L, _D)

# --- scband reference (transcript-rebuilt; emitter-appended) ---
"""Pipeline reference for scband-position-embedding-learned-90194313216568 (READ-ONLY COPY).

The authoritative reference and input builder live on the scoring server;
editing this copy changes nothing except your own understanding.
"""

import jax, jax.numpy as jnp
import numpy as np


def setup_inputs(seed: int = 0) -> dict:
    key = jax.random.key(seed)
    kx, kpe = jax.random.split(key)
    x = jax.random.normal(kx, (4, 2048, 1024), dtype=jnp.float32)
    # nn.Embedding(max_len=2048, d_model=1024) with uniform init per reset_parameters
    pe = jax.random.uniform(kpe, (2048, 1024), dtype=jnp.float32)
    return {"x": x, "pe": pe}


def reference(x, pe):
    b, l = x.shape[0], x.shape[1]
    i = jnp.arange(l)
    x_emb = jnp.take(pe, i, axis=0)          # embedding lookup
    pos = jnp.broadcast_to(x_emb[None, :, :], (b, l, x_emb.shape[-1]))
    return x + pos

if __name__ == "__main__":
    import jax
    _d = setup_inputs()
    print(jax.jit(kernel)(*tuple(_d.values())))

</pallas_src>

<mosaic_0001>
#map = affine_map<(d0, d1) -> (0, 0)>
#map1 = affine_map<(d0, d1) -> (0)>
module attributes {stable_mosaic.version = 14 : i64} {
  func.func @_sc_body(%arg0: i32, %arg1: i32, %arg2: memref<4x2097152xf32, #tpu.memory_space<hbm>>, %arg3: memref<2097152xf32, #tpu.memory_space<hbm>>, %arg4: memref<4x2097152xf32, #tpu.memory_space<hbm>>, %arg5: memref<65536xf32, #tpu.memory_space<vmem>>, %arg6: memref<16384xf32, #tpu.memory_space<vmem>>, %arg7: memref<16384xf32, #tpu.memory_space<vmem>>, %arg8: memref<16384xf32, #tpu.memory_space<vmem>>, %arg9: memref<!tpu.dma_semaphore, #tpu.memory_space<semaphore_mem>>, %arg10: memref<!tpu.dma_semaphore, #tpu.memory_space<semaphore_mem>>, %arg11: memref<!tpu.dma_semaphore, #tpu.memory_space<semaphore_mem>>, %arg12: memref<!tpu.dma_semaphore, #tpu.memory_space<semaphore_mem>>, %arg13: memref<!tpu.dma_semaphore, #tpu.memory_space<semaphore_mem>>, %arg14: memref<!tpu.dma_semaphore, #tpu.memory_space<semaphore_mem>>, %arg15: memref<!tpu.dma_semaphore, #tpu.memory_space<semaphore_mem>>) attributes {dimension_semantics = [#tpu.dimension_semantics<core_parallel>, #tpu.dimension_semantics<subcore_parallel>], iteration_bounds = array<i64: 2, 16>, scalar_prefetch = 0 : i64, scratch_operands = 11 : i64, tpu.core_type = #tpu.core_type<sc_vector_subcore>, window_params = [{transform_indices = #map}, {transform_indices = #map1}, {transform_indices = #map}]} {
    %mul3A = arith.constant 2 : i32
    %mul3A_0 = arith.muli %arg1, %mul3A : i32
    %add3A = arith.addi %mul3A_0, %arg0 : i32
    %mul3A_1 = arith.constant 65536 : i32
    %mul3A_2 = arith.muli %add3A, %mul3A_1 : i32
    %dma_start3A = tpu.memref_slice %arg3[%mul3A_2] : memref<2097152xf32, #tpu.memory_space<hbm>> -> memref<65536xf32, #tpu.memory_space<hbm>>
    %dma_start3A_3 = tpu.memref_slice %arg3[%mul3A_2] : memref<2097152xf32, #tpu.memory_space<hbm>> -> memref<65536xf32, #tpu.memory_space<hbm>>
    tpu.enqueue_dma source(%dma_start3A_3 : memref<65536xf32, #tpu.memory_space<hbm>>) target(%arg5 : memref<65536xf32, #tpu.memory_space<vmem>>) target_semaphore(%arg9 : memref<!tpu.dma_semaphore, #tpu.memory_space<semaphore_mem>>)
    %add3A_4 = arith.constant 0 : i32
    %add3A_5 = arith.addi %mul3A_2, %add3A_4 : i32
    %dma_start3A_6 = arith.constant 3 : i32
    %dma_start3A_7 = tpu.memref_slice %arg2[%dma_start3A_6, %add3A_5] : memref<4x2097152xf32, #tpu.memory_space<hbm>> -> memref<1x16384xf32, #tpu.memory_space<hbm>>
    %dma_start3A_8 = tpu.memref_squeeze %dma_start3A_7 : memref<1x16384xf32, #tpu.memory_space<hbm>> -> memref<16384xf32, #tpu.memory_space<hbm>>
    %dma_start3A_9 = tpu.memref_slice %arg2[%dma_start3A_6, %add3A_5] : memref<4x2097152xf32, #tpu.memory_space<hbm>> -> memref<1x16384xf32, #tpu.memory_space<hbm>>
    %dma_start3A_10 = tpu.memref_squeeze %dma_start3A_9 : memref<1x16384xf32, #tpu.memory_space<hbm>> -> memref<16384xf32, #tpu.memory_space<hbm>>
    tpu.enqueue_dma source(%dma_start3A_10 : memref<16384xf32, #tpu.memory_space<hbm>>) target(%arg6 : memref<16384xf32, #tpu.memory_space<vmem>>) target_semaphore(%arg10 : memref<!tpu.dma_semaphore, #tpu.memory_space<semaphore_mem>>)
    %dma_wait3A = tpu.memref_slice %arg3[%mul3A_2] : memref<2097152xf32, #tpu.memory_space<hbm>> -> memref<65536xf32, #tpu.memory_space<hbm>>
    %dma_wait3A_11 = tpu.memref_slice %arg3[%mul3A_2] : memref<2097152xf32, #tpu.memory_space<hbm>> -> memref<65536xf32, #tpu.memory_space<hbm>>
    tpu.wait_dma2 semaphore(%arg9 : memref<!tpu.dma_semaphore, #tpu.memory_space<semaphore_mem>>) src(%dma_wait3A_11 : memref<65536xf32, #tpu.memory_space<hbm>>) dst(%arg5 : memref<65536xf32, #tpu.memory_space<vmem>>)
    %add3A_12 = arith.constant 0 : i32
    %add3A_13 = arith.addi %mul3A_2, %add3A_12 : i32
    %dma_wait3A_14 = arith.constant 3 : i32
    %dma_wait3A_15 = tpu.memref_slice %arg2[%dma_wait3A_14, %add3A_13] : memref<4x2097152xf32, #tpu.memory_space<hbm>> -> memref<1x16384xf32, #tpu.memory_space<hbm>>
    %dma_wait3A_16 = tpu.memref_squeeze %dma_wait3A_15 : memref<1x16384xf32, #tpu.memory_space<hbm>> -> memref<16384xf32, #tpu.memory_space<hbm>>
    %dma_wait3A_17 = tpu.memref_slice %arg2[%dma_wait3A_14, %add3A_13] : memref<4x2097152xf32, #tpu.memory_space<hbm>> -> memref<1x16384xf32, #tpu.memory_space<hbm>>
    %dma_wait3A_18 = tpu.memref_squeeze %dma_wait3A_17 : memref<1x16384xf32, #tpu.memory_space<hbm>> -> memref<16384xf32, #tpu.memory_space<hbm>>
    tpu.wait_dma2 semaphore(%arg10 : memref<!tpu.dma_semaphore, #tpu.memory_space<semaphore_mem>>) src(%dma_wait3A_18 : memref<16384xf32, #tpu.memory_space<hbm>>) dst(%arg6 : memref<16384xf32, #tpu.memory_space<vmem>>)
    %parallel_loop3A = arith.constant 0 : i32
    %parallel_loop3A_19 = arith.constant 16384 : i32
    %parallel_loop3A_20 = arith.constant 16 : i32
    scf.for %parallel_loop3A_35 = %parallel_loop3A to %parallel_loop3A_19 step %parallel_loop3A_20  : i32 {
      %parallel_loop3A_36 = arith.index_cast %parallel_loop3A_35 : i32 to index
      %parallel_loop3A_37 = tpu.vector_load %arg6[%parallel_loop3A_36] {strides = array<i32>} : memref<16384xf32, #tpu.memory_space<vmem>>, vector<16xf32>,
      %parallel_loop3A_38 = vector.shape_cast %parallel_loop3A_37 : vector<16xf32> to vector<16xf32>
      %parallel_loop3A_39 = arith.constant 0 : i32
      %parallel_loop3A_40 = arith.addi %parallel_loop3A_39, %parallel_loop3A_35 : i32
      %parallel_loop3A_41 = arith.index_cast %parallel_loop3A_40 : i32 to index
      %parallel_loop3A_42 = tpu.vector_load %arg5[%parallel_loop3A_41] {strides = array<i32>} : memref<65536xf32, #tpu.memory_space<vmem>>, vector<16xf32>,
      %parallel_loop3A_43 = vector.shape_cast %parallel_loop3A_42 : vector<16xf32> to vector<16xf32>
      %parallel_loop3A_44 = arith.addf %parallel_loop3A_38, %parallel_loop3A_43 : vector<16xf32>
      %parallel_loop3A_45 = arith.index_cast %parallel_loop3A_35 : i32 to index
      %parallel_loop3A_46 = tpu.vector_load %arg6[%parallel_loop3A_45] {strides = array<i32>} : memref<16384xf32, #tpu.memory_space<vmem>>, vector<16xf32>,
      %parallel_loop3A_47 = vector.shape_cast %parallel_loop3A_46 : vector<16xf32> to vector<16xf32>
      %parallel_loop3A_48 = vector.shape_cast %parallel_loop3A_44 : vector<16xf32> to vector<16xf32>
      tpu.vector_store %arg6[%parallel_loop3A_45], %parallel_loop3A_48 {strides = array<i32>} : memref<16384xf32, #tpu.memory_space<vmem>>, vector<16xf32>,
    } {sc.loop_unroll_factor = 8 : i64, sc.parallel_access}
    %add3A_21 = arith.constant 0 : i32
    %add3A_22 = arith.addi %mul3A_2, %add3A_21 : i32
    %dma_start3A_23 = arith.constant 3 : i32
    %dma_start3A_24 = tpu.memref_slice %arg4[%dma_start3A_23, %add3A_22] : memref<4x2097152xf32, #tpu.memory_space<hbm>> -> memref<1x16384xf32, #tpu.memory_space<hbm>>
    %dma_start3A_25 = tpu.memref_squeeze %dma_start3A_24 : memref<1x16384xf32, #tpu.memory_space<hbm>> -> memref<16384xf32, #tpu.memory_space<hbm>>
    %dma_start3A_26 = tpu.memref_slice %arg4[%dma_start3A_23, %add3A_22] : memref<4x2097152xf32, #tpu.memory_space<hbm>> -> memref<1x16384xf32, #tpu.memory_space<hbm>>
    %dma_start3A_27 = tpu.memref_squeeze %dma_start3A_26 : memref<1x16384xf32, #tpu.memory_space<hbm>> -> memref<16384xf32, #tpu.memory_space<hbm>>
    tpu.enqueue_dma source(%arg6 : memref<16384xf32, #tpu.memory_space<vmem>>) target(%dma_start3A_27 : memref<16384xf32, #tpu.memory_space<hbm>>) target_semaphore(%arg13 : memref<!tpu.dma_semaphore, #tpu.memory_space<semaphore_mem>>)
    %add3A_28 = arith.constant 0 : i32
    %add3A_29 = arith.addi %mul3A_2, %add3A_28 : i32
    %dma_wait3A_30 = arith.constant 3 : i32
    %dma_wait3A_31 = tpu.memref_slice %arg4[%dma_wait3A_30, %add3A_29] : memref<4x2097152xf32, #tpu.memory_space<hbm>> -> memref<1x16384xf32, #tpu.memory_space<hbm>>
    %dma_wait3A_32 = tpu.memref_squeeze %dma_wait3A_31 : memref<1x16384xf32, #tpu.memory_space<hbm>> -> memref<16384xf32, #tpu.memory_space<hbm>>
    %dma_wait3A_33 = tpu.memref_slice %arg4[%dma_wait3A_30, %add3A_29] : memref<4x2097152xf32, #tpu.memory_space<hbm>> -> memref<1x16384xf32, #tpu.memory_space<hbm>>
    %dma_wait3A_34 = tpu.memref_squeeze %dma_wait3A_33 : memref<1x16384xf32, #tpu.memory_space<hbm>> -> memref<16384xf32, #tpu.memory_space<hbm>>
    tpu.wait_dma2 semaphore(%arg13 : memref<!tpu.dma_semaphore, #tpu.memory_space<semaphore_mem>>) src(%arg6 : memref<16384xf32, #tpu.memory_space<vmem>>) dst(%dma_wait3A_34 : memref<16384xf32, #tpu.memory_space<hbm>>)
    return
  }
}

module attributes {stable_mosaic.version = 14 : i64} {
  func.func @_tc_body(%arg0: i32, %arg1: i32, %arg2: memref<1x2048x1024xf32, #tpu.memory_space<vmem>>, %arg3: memref<2048x1024xf32, #tpu.memory_space<vmem>>, %arg4: memref<1x2048x1024xf32, #tpu.memory_space<vmem>>) attributes {dimension_semantics = [#tpu.dimension_semantics<arbitrary>, #tpu.dimension_semantics<arbitrary>], iteration_bounds = array<i64: 1, 3>, scalar_prefetch = 0 : i64, scratch_operands = 0 : i64, tpu.core_type = #tpu.core_type<tc>, window_params = [{transform_indices = @transform_0, window_bounds = array<i64: 1, 2048, 1024>}, {transform_indices = @transform_1, window_bounds = array<i64: 2048, 1024>}, {transform_indices = @transform_2, window_bounds = array<i64: 1, 2048, 1024>}]} {
    %get3A = arith.constant 0 : index
    %get3A_0 = arith.constant 0 : index
    %get3A_1 = arith.constant 0 : index
    %get3A_2 = vector.load %arg2[%get3A, %get3A_0, %get3A_1] : memref<1x2048x1024xf32, #tpu.memory_space<vmem>>, vector<1x2048x1024xf32>
    %get3A_3 = arith.constant 0 : index
    %get3A_4 = arith.constant 0 : index
    %get3A_5 = vector.load %arg3[%get3A_3, %get3A_4] : memref<2048x1024xf32, #tpu.memory_space<vmem>>, vector<2048x1024xf32>
    %broadcast_in_dim3A = vector.shape_cast %get3A_5 : vector<2048x1024xf32> to vector<1x2048x1024xf32>
    %add3A = arith.addf %get3A_2, %broadcast_in_dim3A : vector<1x2048x1024xf32>
    %swap3A = arith.constant 0 : index
    %swap3A_6 = arith.constant 0 : index
    %swap3A_7 = arith.constant 0 : index
    %swap3A_8 = vector.load %arg4[%swap3A, %swap3A_6, %swap3A_7] : memref<1x2048x1024xf32, #tpu.memory_space<vmem>>, vector<1x2048x1024xf32>
    tpu.vector_store %arg4[%swap3A, %swap3A_6, %swap3A_7], %add3A {strides = array<i32>} : memref<1x2048x1024xf32, #tpu.memory_space<vmem>>, vector<1x2048x1024xf32>,
    return
  }
  func.func @transform_0(%arg0: i32, %arg1: i32) -> (i32, i32, i32) {
    %c0_i32 = arith.constant 0 : i32
    %c0_i32_0 = arith.constant 0 : i32
    return %arg1, %arg0, %c0_i32 : i32, i32, i32
  }
  func.func @transform_1(%arg0: i32, %arg1: i32) -> (i32, i32) {
    %c0_i32 = arith.constant 0 : i32
    %c0_i32_0 = arith.constant 0 : i32
    return %arg0, %c0_i32 : i32, i32
  }
  func.func @transform_2(%arg0: i32, %arg1: i32) -> (i32, i32, i32) {
    %c0_i32 = arith.constant 0 : i32
    %c0_i32_0 = arith.constant 0 : i32
    return %arg1, %arg0, %c0_i32 : i32, i32, i32
  }
}

</mosaic_0001>

<sc_bundles>
// kernel: kernel.4.cloned.1.call-start
scs
__scs_entry_jumppad:
0x0: {  	(pc) =	sbr.rel $0x88, $3  }
0x1: {  	(tag) =	ssettag $0x0;
	lr =	simm.s32 $0x1  }
0x2: {  	[smem:$0x3F9F] =	sst lr;
	_ =	strace $0xD0000000  }
0x3: {  	_ = 	snop  }
0x4: {  	_ = 	snop  }
0x5: {  	_ = 	snop  }
0x6: {  	_ = 	snop  }
0x7: {  	_ = 	snop  }
__scs_overlays_trampoline_lowered:
0x8: {  	[smem:$0x3FAE] =	sst s0  }
0x9: {  	[smem:$0x3FAF] =	sst s1  }
0xa: {  	[smem:$0x3FB0] =	sst s2  }
0xb: {  	[smem:$0x3FB1] =	sst s3  }
0xc: {  	[smem:$0x3FB2] =	sst s4  }
0xd: {  	[smem:$0x3FB3] =	sst s5  }
0xe: {  	[smem:$0x3FB4] =	sst s6  }
0xf: {  	[smem:$0x3FB5] =	sst s7  }
0x10: {  	[smem:$0x3FB6] =	sst s8  }
0x11: {  	[smem:$0x3FB7] =	sst s9;
	s0 =	simm.s32 @!p0 $0x0  }
0x12: {  	s1 =	sld [smem:$0x3F9D];
	s0 =	simm.s32 @p0 $0x1  }
0x13: {  	[smem:$0x3FB8] =	sst s0;
	s0 =	simm.s32 @!p1 $0x0  }
0x14: {  	s2 =	sld [smem:$0x3F9C];
	s0 =	simm.s32 @p1 $0x1  }
0x15: {  	[smem:$0x3FB9] =	sst s0;
	s0 =	simm.s32 @!p2 $0x0  }
0x16: {  	s3 =	sld [smem:$0x3FDB];
	s0 =	simm.s32 @p2 $0x1  }
0x17: {  	s4 =	simm.s32 $0x1BF5;
	[smem:$0x3FBB] =	sst s0  }
0x18: {  	s0 =	sld [smem:$0x3F9E];
	_ =	swait.ge [sflag:s4], $0x0  }
0x19: {  	s7 =	sld [smem:$0x3F9F]  }
0x1a: {  	s8 =	sadd.s32 $0xFFFFE003, lr  }
0x1b: {  	s9 =	sadd.s32 $0xFFFFFEF7, lr;
	s5 =	simm.s32 $0xFFFFFFFF;
	p2 =	slt.u32 s8, $0xFFFFF086  }
0x1c: {  	p1 =	slt.u32 s9, $0xF7A;
	s5 =	simm.s32 @!p2 $0x0  }
0x1d: {  	s5 =	simm.s32 @p1 $0x1;
	p0 =	seq.s32 s7, s2  }
0x1e: {  	s7 =	smul.u32 @!p0 $0xF7A, s2;
	p2 =	seq.s32 @!p0 s5, $0x0  }
0x1f: {  	s9 =	smul.u32 $0xF7A, s1;
	s8 =	simm.s32 @!p0 $0x1BF5;
	p2 =	por !p2, p0  }
0x20: {  	[sflag:s8] =	ssyncset.s32 @!p0 $0xFFFFF086;
	s6 =	sadd.s32 @!p0 s3, s7;
	s7 =	simm.s32 @!p0 $0x108  }
0x21: {  	s3 =	sadd.s32 s3, s9;
	s6 =	sadd.s32 @!p0 $0x88, s6;
	s7 =	simm.s32 @p2 $0x1082  }
0x22: {  	[simem:s7], [sflag:s8] =	dma.local @!p0 [hbm:s6], $0xF7A  }
0x23: {  	s9 =	sor.u32 $0xD0000000, s2;
	s6 =	simm.s32 $0x108;
	_ =	swait.ge @!p0 [sflag:s8], $0x0  }
0x24: {  	s3 =	sadd.s32 $0x88, s3;
	s6 =	simm.s32 @!p1 $0x1082;
	[sflag:s4] =	ssyncset.s32 $0xFFFFF086  }
0x25: {  	[simem:s6], [sflag:s4] =	dma.local [hbm:s3], $0xF7A  }
0x26: {  	[smem:$0x3F9F] =	sst s1;
	(tag) =	ssettag s2;
	_ =	strace s9  }
0x27: {  	s1 =	sld [smem:$0x3FAF]  }
0x28: {  	s2 =	sld [smem:$0x3FB0]  }
0x29: {  	s4 =	sld [smem:$0x3FB2]  }
0x2a: {  	p0 =	seq.s32 s5, $0x0;
	s5 =	sld [smem:$0x3FB3]  }
0x2b: {  	s6 =	sld [smem:$0x3FB4]  }
0x2c: {  	s7 =	sld [smem:$0x3FB5]  }
0x2d: {  	s3 =	simm.s32 $0x108;
	s8 =	sld [smem:$0x3FB6]  }
0x2e: {  	s3 =	simm.s32 @!p0 $0x1082;
	s9 =	sld [smem:$0x3FB7]  }
0x2f: {  	lr =	sadd.s32 s0, s3;
	s0 =	sld [smem:$0x3FAE]  }
0x30: {  	s3 =	sld [smem:$0x3FB1]  }
0x31: {  	[smem:$0x3FBA] =	sst s10  }
0x32: {  	s10 =	sld [smem:$0x3FB8];
	_ =	sdelay $0x3  }
0x33: {  	p0 =	seq.s32 s10, $0x1;
	s10 =	sld [smem:$0x3FBA];
	_ =	sdelay $0x3  }
0x34: {  	[smem:$0x3FBA] =	sst s10  }
0x35: {  	s10 =	sld [smem:$0x3FB9];
	_ =	sdelay $0x3  }
0x36: {  	p1 =	seq.s32 s10, $0x1;
	s10 =	sld [smem:$0x3FBA];
	_ =	sdelay $0x3  }
0x37: {  	[smem:$0x3FBA] =	sst s10  }
0x38: {  	s10 =	sld [smem:$0x3FBB]  }
0x39: {  	_ = 	snop;
	(pc) =	sbr.ind lr, $3  }
0x3a: {  	_ = 	snop  }
0x3b: {  	_ = 	snop  }
0x3c: {  	p2 =	seq.s32 s10, $0x1;
	s10 =	sld [smem:$0x3FBA]  }
0x3d: {  	_ =	shalt  }
0x3e: {  	_ =	shalt  }
0x3f: {  	_ =	shalt  }
0x40: {  	_ =	shalt  }
0x41: {  	_ =	shalt  }
0x42: {  	_ =	shalt  }
0x43: {  	_ =	shalt  }
0x44: {  	_ =	shalt  }
0x45: {  	_ =	shalt  }
0x46: {  	_ =	shalt  }
0x47: {  	_ =	shalt  }
0x48: {  	_ =	shalt  }
0x49: {  	_ =	shalt  }
0x4a: {  	_ =	shalt  }
0x4b: {  	_ =	shalt  }
0x4c: {  	_ =	shalt  }
0x4d: {  	_ =	shalt  }
0x4e: {  	_ =	shalt  }
0x4f: {  	_ =	shalt  }
0x50: {  	_ =	shalt  }
0x51: {  	_ =	shalt  }
0x52: {  	_ =	shalt  }
0x53: {  	_ =	shalt  }
0x54: {  	_ =	shalt  }
0x55: {  	_ =	shalt  }
0x56: {  	_ =	shalt  }
0x57: {  	_ =	shalt  }
0x58: {  	_ =	shalt  }
0x59: {  	_ =	shalt  }
0x5a: {  	_ =	shalt  }
0x5b: {  	_ =	shalt  }
0x5c: {  	_ =	shalt  }
0x5d: {  	_ =	shalt  }
0x5e: {  	_ =	shalt  }
0x5f: {  	_ =	shalt  }
0x60: {  	_ =	shalt  }
0x61: {  	_ =	shalt  }
0x62: {  	_ =	shalt  }
0x63: {  	_ =	shalt  }
0x64: {  	_ =	shalt  }
0x65: {  	_ =	shalt  }
0x66: {  	_ =	shalt  }
0x67: {  	_ =	shalt  }
0x68: {  	_ =	shalt  }
0x69: {  	_ =	shalt  }
0x6a: {  	_ =	shalt  }
0x6b: {  	_ =	shalt  }
0x6c: {  	_ =	shalt  }
0x6d: {  	_ =	shalt  }
0x6e: {  	_ =	shalt  }
0x6f: {  	_ =	shalt  }
0x70: {  	_ =	shalt  }
0x71: {  	_ =	shalt  }
0x72: {  	_ =	shalt  }
0x73: {  	_ =	shalt  }
0x74: {  	_ =	shalt  }
0x75: {  	_ =	shalt  }
0x76: {  	_ =	shalt  }
0x77: {  	_ =	shalt  }
0x78: {  	_ =	shalt  }
0x79: {  	_ =	shalt  }
0x7a: {  	_ =	shalt  }
0x7b: {  	_ =	shalt  }
0x7c: {  	_ =	shalt  }
0x7d: {  	_ =	shalt  }
0x7e: {  	_ =	shalt  }
0x7f: {  	_ =	shalt  }
0x80: {  	_ =	shalt  }
0x81: {  	_ =	shalt  }
0x82: {  	_ =	shalt  }
0x83: {  	_ =	shalt  }
0x84: {  	_ =	shalt  }
0x85: {  	_ =	shalt  }
0x86: {  	_ =	shalt  }
0x87: {  	_ =	shalt  }
.Lfunc_end0:
.L_simem_size_0:
called_computation.2_lowered:
.L_overlay_start_0:
0x88: {  	s2 =	sld [smem:$0x3FD9]  }
0x89: {  	s3 =	sld [smem:$0x3FFE];
	_ =	sdelay $0x1  }
0x8a: {  	s1 =	srdreg.scid  }
0x8b: {  	s0 =	sand.u32 $0x1, s1  }
0x8c: {  	s14 =	sshll.u32 s0, $0xA;
	s2 =	sadd.s32 s3, s2  }
0x8d: {  	s2 =	sadd.s32 s2, s14  }
0x8e: {  	[smem:$0x3FC6] =	sst s2  }
0x8f: {  	_ = 	snop  }
0x90: {  	s2 =	sld [smem:$0x3FD0];
	_ =	sdelay $0x2  }
0x91: {  	s15 =	simm.s32 $0xA;
	s4 =	simm.s32 $0x10  }
0x92: {  	[smem:s4], [sflag:s15] =	dma.local [hbm:s2], $0x1  }
0x93: {  	_ =	swait.eq [sflag:s15], $0x1  }
0x94: {  	[sflag:s15] =	ssyncset.done $0x0  }
0x95: {  	s16 =	sld [smem:$0x10];
	[sflag:s15] =	ssyncadd.s32 $0xFFFFFFFF  }
0x96: {  	s17 =	sld [smem:$0x11];
	(tm) =	ssettm $0x1  }
0x97: {  	s18 =	sld [smem:$0x3FFB];
	_ =	sdelay $0x3  }
0x98: {  	_ =	strace s18  }
0x99: {  	s4 =	sld [smem:$0x3FFC];
	_ =	sdelay $0x3  }
0x9a: {  	_ =	strace s4  }
0x9b: {  	s4 =	sld [smem:$0x3FFD];
	_ =	sdelay $0x3  }
0x9c: {  	_ =	strace s4  }
0x9d: {  	_ =	strace $0x8FFFFFFF  }
0x9e: {  	s19 =	sld [smem:$0x3FDB];
	_ =	sdelay $0x1  }
0x9f: {  	s5 =	simm.s32 $_scs_section_size  }
0xa0: {  	s6 =	simm.s32 $_size__tile_overlayer_lowered;
	s7 =	simm.s32 $_tile_overlayer_lowered  }
0xa1: {  	s22 =	simm.s32 $0x1BFF;
	s21 =	sshll.u32 s7, $0x1;
	s4 =	sadd.s32 s5, s19  }
0xa2: {  	s8 =	simm.s32 $0x0;
	s20 =	sshll.u32 s6, $0x1;
	s6 =	sadd.s32 s21, s4  }
0xa3: {  	[timem:s8], [sflag:s22] =	dma.local [hbm:s6], s20  }
0xa4: {  	_ =	swait.ge [sflag:s22], s20  }
0xa5: {  	s5 =	ssub.s32 $0x0, s20;
	[sflag:s22] =	ssyncset.done $0x0  }
0xa6: {  	[sflag:s22] =	ssyncadd.s32 s5;
	_ =	sdelay $0x1  }
0xa7: {  	s23 =	simm.s32 $0x1B8B  }
0xa8: {  	_ =	swait.ge [sflag:s23], $0x1  }
0xa9: {  	[sflag:s23] =	ssyncset.done $0x0  }
0xaa: {  	s25 =	simm.s32 $0x1B8E;
	s24 =	sld [smem:$0x3FFE];
	[sflag:s23] =	ssyncadd.s32 $0xFFFFFFFF  }
0xab: {  	s26 =	simm.s32 $execute0_lowered;
	[smem:$0x3FD2] =	sst s25  }
0xac: {  	s6 =	sshll.u32 s26, $0x1;
	_ =	strace $0x80000049;
	[dreg:$0x1] =	wrdreg $0xFFFFFFFF  }
0xad: {  	s28 =	simm.s32 $_size_execute0_lowered;
	s4 =	sadd.s32 s4, s6;
	[dreg:$0x0] =	wrdreg $0x0  }
0xae: {  	s6 =	sshll.u32 s28, $0x1;
	[dreg:$0x2] =	wrdreg s4  }
0xaf: {  	[dreg:$0x3] =	wrdreg s6  }
0xb0: {  	[dreg:$0x4] =	wrdreg $0xC0  }
0xb1: {  	_ =	task [dreg:s8], $0x5FFFF  }
0xb2: {  	[dreg:$0x1] =	wrdreg $0xFFFFFFFF  }
0xb3: {  	[dreg:$0x0] =	wrdreg $0x60  }
0xb4: {  	[dreg:$0x2] =	wrdreg s17  }
0xb5: {  	[dreg:$0x3] =	wrdreg s16  }
0xb6: {  	[dreg:$0x4] =	wrdreg s24  }
0xb7: {  	[dreg:$0x5] =	wrdreg $0x9  }
0xb8: {  	_ =	task.clear_ibuf [dreg:s8], $0x6FFFF;
	_ =	strace $0x90000049  }
0xb9: {  	s29 =	simm.s32 $0x9;
	_ =	strace $0x8000004B  }
0xba: {  	_ =	swait.ge [sflag:s29], $0x1  }
0xbb: {  	[sflag:s29] =	ssyncadd.s32 $0xFFFFFFFF  }
0xbc: {  	_ =	strace $0x9000004B  }
0xbd: {  	_ =	sfence  }
0xbe: {  	s30 =	sld [smem:$0x0];
	_ =	sdelay $0x2  }
0xbf: {  	s31 =	sshll.u32 s1, $0xD;
	s1 =	sshrl.u32 s1, $0x2  }
0xc0: {  	s3 =	sand.u32 $0x4000, s31;
	s1 =	sadd.s32 s1, s30  }
0xc1: {  	s0 =	sor.u32 s3, s0;
	s1 =	sshll.u32 s1, $0x11  }
0xc2: {  	s0 =	sor.u32 s1, s0  }
0xc3: {  	s0 =	sadd.s32 $0x8F2B, s0  }
0xc4: {  	[sflag:s0] =	ssyncadd.remote.s32 $0x1  }
0xc5: {  	_ =	sfence.sel $0xFFFF  }
0xc6: {  	[dreg:$0x0] =	wrdreg $0xFFFFFFFF;
	(pc) =	sbr.abs _section_cstart, $3  }
0xc7: {  	[dreg:$0x1] =	wrdreg $0xFFFFFFFF  }
0xc8: {  	_ =	task.clear_ibuf [dreg:s8], $0x2FFFF;
	_ =	strace $0x9FFFFFFF  }
0xc9: {  	(tm) =	ssettm $0x7FFFFFFF  }
tec
execute0_lowered:
.L_overlay_start_1:
0x0: {  	(tag) =	ssettag $0x1  }
0x1: {  	s4 =	rddreg [dreg:$0x0];
	s1 =	srdreg.scid  }
0x2: {  	s3 =	rddreg [dreg:$0x1];
	s0 =	stileid.u32  }
0x3: {  	s6 =	rddreg [dreg:$0x2];
	s2 =	simm.s32 $0x0;
	s10 =	simm.s32 $0x1  }
0x4: {  	s11 =	simm.s32 $0x2;
	s12 =	simm.s32 $0x3;
	s13 =	simm.s32 $0x0  }
0x5: {  	s5 =	sand.u32 $0x1, s1;
	s7 =	sshll.u32 s0, $0x11;
	s1 =	rddreg [dreg:$0x3]  }
0x6: {  	[smem:$0x7FF] =	sst s2;
	s8 =	sshll.u32 s5, $0x10;
	s5 =	ssub.s32 $0x2, s5  }
0x7: {  	_ =	strace $0x8000004A;
	s7 =	sor.u32 s8, s7;
	s9 =	sshrl.u32 s5, $0x1  }
0x8: {  	s8 =	sshrl.u32 s7, $0x1;
	s7 =	sshrl.u32 s7, $0x3;
	s9 =	ssub.s32 s5, s9  }
0x9: {  	s8 =	sor.u32 $0x30, s8;
	s3 =	sadd.s32 s3, s7;
	s7 =	simm.s32 $0x80  }
0xa: {  	s6 =	sadd.s32 s8, s6;
	s4 =	sadd.s32 s4, s8;
	s8 =	simm.s32 $0x200  }
0xb: {  	s5 =	sadd.s32 $0xE00, s6;
	s6 =	smax.u32 s9, $0x1;
	s9 =	simm.s32 $0x10000  }
.LBB2_1:
0xc: {  	[tilespmem:s2], [sflag:$0x1] =	stream.linear.gather [hbm4b:s3+s2], $0x10000, $0x38;
	[tilespmem:$0x14000] =	vst v63  }
0xd: {  	_ = 	snop  }
0xe: {  	[tilespmem:s9], [sflag:$0x2] =	stream.strided.gather [hbm4b:s4+s7], $0x4000, s8, s7, $0x38;
	[tilespmem:$0x14000] =	vst v63  }
0xf: {  	_ =	swait.ge [sflag:s10], $0x10000  }
0x10: {  	[sflag:s10] =	ssyncset.done $0x0  }
0x11: {  	[sflag:s10] =	ssyncadd.s32 $0xFFFF0000  }
0x12: {  	_ =	swait.ge [sflag:s11], $0x4000  }
0x13: {  	[sflag:s11] =	ssyncset.done $0x0  }
0x14: {  	s14 =	simm.s32 $0x10040;
	[sflag:s11] =	ssyncadd.s32 $0xFFFFC000  }
0x15: {  	s15 =	simm.s32 $0x40;
	v1 =	vld [tilespmem:s14+$0x30]  }
0x16: {  	v2 =	vld [tilespmem:s15+$0x30]  }
0x17: {  	v0 =	vld [tilespmem:s15+$0xFFFFFFC0]  }
0x18: {  	v3 =	vld [tilespmem:s14+$0xFFFFFFD0]  }
0x19: {  	v4 =	vld [tilespmem:s15+$0xFFFFFFD0]  }
0x1a: {  	v5 =	vld [tilespmem:s14+$0xFFFFFFE0]  }
0x1b: {  	v6 =	vld [tilespmem:s15+$0xFFFFFFE0]  }
0x1c: {  	v7 =	vld [tilespmem:s14+$0xFFFFFFF0]  }
0x1d: {  	v8 =	vld [tilespmem:s15+$0xFFFFFFF0]  }
0x1e: {  	v9 =	vld [tilespmem:s14+$0x0]  }
0x1f: {  	v10 =	vld [tilespmem:s15+$0x0];
	v2 =	vadd.f32 v2, v1  }
0x20: {  	v4 =	vadd.f32 v4, v3;
	v1 =	vld [tilespmem:s14+$0x10]  }
0x21: {  	v5 =	vadd.f32 v6, v5;
	v3 =	vld [tilespmem:s15+$0x10];
	[tilespmem:s14+$0x30] =	vst v2  }
0x22: {  	v6 =	vadd.f32 v8, v7;
	[tilespmem:s14+$0xFFFFFFD0] =	vst v4;
	v2 =	vld [tilespmem:s14+$0x20]  }
0x23: {  	[tilespmem:s14+$0xFFFFFFE0] =	vst v5;
	v5 =	vld [tilespmem:s15+$0x20]  }
0x24: {  	s16 =	simm.s32 $0x0;
	s17 =	simm.s32 $0x100C0;
	v4 =	vld [tilespmem:s14+$0xFFFFFFC0];
	[tilespmem:s14+$0xFFFFFFF0] =	vst v6;
	v6 =	vadd.f32 v10, v9  }
.LBB2_2:
0x25: {  	v7 =	vld [tilespmem:s17+$0x30];
	s15 =	sadd.s32 $0x80, s15  }
0x26: {  	s16 =	sadd.s32 $0x80, s16;
	v8 =	vld [tilespmem:s15+$0x30];
	[tilespmem:s14+$0x0] =	vst v6;
	v1 =	vadd.f32 v3, v1  }
0x27: {  	p0 =	slt.u32 s16, $0x3F80;
	v3 =	vld [tilespmem:s15+$0xFFFFFFC0]  }
0x28: {  	v6 =	vld [tilespmem:s17+$0xFFFFFFD0];
	[tilespmem:s14+$0x10] =	vst v1;
	v1 =	vadd.f32 v5, v2  }
0x29: {  	v2 =	vld [tilespmem:s15+$0xFFFFFFD0];
	v9 =	vadd.f32 v0, v4  }
0x2a: {  	v4 =	vld [tilespmem:s17+$0xFFFFFFE0];
	[tilespmem:s14+$0x20] =	vst v1  }
0x2b: {  	v1 =	vld [tilespmem:s15+$0xFFFFFFE0];
	v5 =	vadd.f32 v8, v7;
	[tilespmem:s14+$0xFFFFFFC0] =	vst v9;
	s14 =	smov.u32 s17  }
0x2c: {  	v7 =	vld [tilespmem:s17+$0xFFFFFFF0];
	v0 =	vmov v3  }
0x2d: {  	v8 =	vld [tilespmem:s15+$0xFFFFFFF0];
	[tilespmem:s17+$0x30] =	vst v5  }
0x2e: {  	v2 =	vadd.f32 v2, v6;
	v6 =	vld [tilespmem:s17+$0x0]  }
0x2f: {  	v9 =	vld [tilespmem:s15+$0x0]  }
.Ltmp0:
0x30: {  	[tilespmem:s17+$0xFFFFFFD0] =	vst v2;
	v2 =	vadd.f32 v1, v4;
	v1 =	vld [tilespmem:s17+$0x10];
	(pc) =	sbr.rel @p0 .LBB2_2-.Ltmp0, $4  }
0x31: {  	v3 =	vld [tilespmem:s15+$0x10]  }
0x32: {  	[tilespmem:s17+$0xFFFFFFE0] =	vst v2;
	v7 =	vadd.f32 v8, v7;
	v2 =	vld [tilespmem:s17+$0x20]  }
0x33: {  	v5 =	vld [tilespmem:s15+$0x20]  }
0x34: {  	s17 =	sadd.s32 $0x80, s17;
	v4 =	vld [tilespmem:s14+$0xFFFFFFC0];
	[tilespmem:s14+$0xFFFFFFF0] =	vst v7;
	v6 =	vadd.f32 v9, v6  }
0x35: {  	_ =	sdelay $0x1  }
0x36: {  	v1 =	vadd.f32 v3, v1  }
0x37: {  	[tilespmem:s14+$0x0] =	vst v6;
	v2 =	vadd.f32 v5, v2  }
0x38: {  	s13 =	sadd.s32 $0x1, s13;
	[tilespmem:s14+$0x10] =	vst v1;
	v0 =	vadd.f32 v0, v4  }
0x39: {  	p0 =	sne.s32 s13, s6;
	[tilespmem:s14+$0x20] =	vst v2  }
.Ltmp1:
0x3a: {  	[tilespmem:s14+$0xFFFFFFC0] =	vst v0;
	(pc) =	sbr.rel @p0 .LBB2_1-.Ltmp1, $4  }
0x3b: {  	[hbm4b:s5+s7] =	stream.strided.scatter [tilespmem:s9], [sflag:$0x3], $0x4000, s8, s7, $0x38;
	[tilespmem:$0x14000] =	vst v63  }
0x3c: {  	_ =	swait.ge [sflag:s12], $0x4000  }
0x3d: {  	[sflag:s12] =	ssyncset.done $0x0  }
0x3e: {  	[sflag:s12] =	ssyncadd.s32 $0xFFFFC000  }
0x3f: {  	_ =	sfence.sel $0x180000  }
0x40: {  	[bflag:$0x0] =	sbarrier.arrive $0xFFFF  }
0x41: {  	p0 =	sne.s32 s0, $0x0;
	_ =	strace $0x9000004A  }
0x42: {  	s0 =	sadd.s32 @!p0 $0x100000, s1;
	[bflag:$0x2] =	sbarrier.arrive $0xFFFF  }
0x43: {  	[sflag:s0] =	ssyncadd.tile.s32 @!p0 $0x1;
	_ =	shalt  }
.Lfunc_end2:
_tile_overlayer_lowered:
.L_overlay_start_2:
0x44: {  	(tag) =	ssettag $0x2  }
0x45: {  	s0 =	rddreg [dreg:$0x0];
	s2 =	stileid.u32  }
0x46: {  	s1 =	rddreg [dreg:$0x1];
	p0 =	sne.s32 s2, $0x0  }
0x47: {  	s3 =	rddreg [dreg:$0x2];
	[bflag:$0x3] =	sbarrier.arrive $0xFFFF;
	s2 =	simm.s32 @!p0 $0x1C04  }
0x48: {  	[timem:s3], [sflag:s2] =	dma.local @!p0 [hbm:s0], s1  }
0x49: {  	s0 =	simm.s32 @!p0 $0x4  }
0x4a: {  	_ =	swait.ge @!p0 [sflag:s0], s1  }
0x4b: {  	s1 =	ssub.s32 @!p0 $0x0, s1;
	[sflag:s0] =	ssyncset.done @!p0 $0x0  }
0x4c: {  	[sflag:s0] =	ssyncadd.s32 @!p0 s1  }
0x4d: {  	[bflag:$0x3] =	sbarrier.arrive $0xFFFF  }
0x4e: {  	_ =	shalt  }

// kernel: sparse-core-data-format-call.1.cloned.1.call-start
scs
called_computation.1_lowered:
.L_overlay_start_0:
0x0: {  	s2 =	sld [smem:$0x3FD9]  }
0x1: {  	s3 =	sld [smem:$0x3FFE];
	_ =	sdelay $0x1  }
0x2: {  	s1 =	srdreg.scid  }
0x3: {  	s0 =	sand.u32 $0x1, s1  }
0x4: {  	s16 =	sshll.u32 s0, $0xA;
	s2 =	sadd.s32 s3, s2  }
0x5: {  	s2 =	sadd.s32 s2, s16  }
0x6: {  	[smem:$0x3FC6] =	sst s2  }
0x7: {  	_ = 	snop  }
0x8: {  	s2 =	sld [smem:$0x3FD0];
	_ =	sdelay $0x2  }
0x9: {  	s4 =	simm.s32 $0xA;
	s5 =	simm.s32 $0x10;
	s17 =	sld [smem:$0x3FC9]  }
0xa: {  	[smem:s5], [sflag:s4] =	dma.local [hbm:s2], $0x1  }
0xb: {  	_ =	swait.eq [sflag:s4], $0x1  }
0xc: {  	[sflag:s4] =	ssyncset.done $0x0  }
0xd: {  	[sflag:s4] =	ssyncadd.s32 $0xFFFFFFFF  }
0xe: {  	s18 =	sld [smem:$0x11];
	(tm) =	ssettm $0x1  }
0xf: {  	s19 =	sld [smem:$0x3FFB];
	_ =	sdelay $0x3  }
0x10: {  	_ =	strace s19  }
0x11: {  	s4 =	sld [smem:$0x3FFC];
	_ =	sdelay $0x3  }
0x12: {  	_ =	strace s4  }
0x13: {  	s4 =	sld [smem:$0x3FFD];
	_ =	sdelay $0x3  }
0x14: {  	_ =	strace s4  }
0x15: {  	_ =	strace $0x8FFFFFFF  }
0x16: {  	s20 =	sld [smem:$0x3FDB];
	_ =	sdelay $0x1  }
0x17: {  	s21 =	simm.s32 $_scs_section_size  }
0x18: {  	s6 =	simm.s32 $_size__tile_overlayer_lowered;
	s7 =	simm.s32 $_tile_overlayer_lowered  }
0x19: {  	s24 =	simm.s32 $0x1BFF;
	s23 =	sshll.u32 s7, $0x1;
	s4 =	sadd.s32 s21, s20  }
0x1a: {  	s8 =	simm.s32 $0x0;
	s22 =	sshll.u32 s6, $0x1;
	s6 =	sadd.s32 s23, s4  }
0x1b: {  	[timem:s8], [sflag:s24] =	dma.local [hbm:s6], s22  }
0x1c: {  	_ =	swait.ge [sflag:s24], s22  }
0x1d: {  	s5 =	ssub.s32 $0x0, s22;
	[sflag:s24] =	ssyncset.done $0x0  }
0x1e: {  	[sflag:s24] =	ssyncadd.s32 s5;
	_ =	sdelay $0x1  }
0x1f: {  	s25 =	simm.s32 $0x1B8B  }
0x20: {  	_ =	swait.ge [sflag:s25], $0x1  }
0x21: {  	[sflag:s25] =	ssyncset.done $0x0  }
0x22: {  	s26 =	simm.s32 $0x1B8E;
	[sflag:s25] =	ssyncadd.s32 $0xFFFFFFFF  }
0x23: {  	s27 =	simm.s32 $execute0_lowered;
	[smem:$0x3FD2] =	sst s26  }
0x24: {  	s5 =	sshll.u32 s27, $0x1;
	_ =	strace $0x80000046;
	[dreg:$0x1] =	wrdreg $0xFFFFFFFF  }
0x25: {  	s28 =	simm.s32 $_size_execute0_lowered;
	s4 =	sadd.s32 s4, s5;
	[dreg:$0x0] =	wrdreg $0x0  }
0x26: {  	s5 =	sshll.u32 s28, $0x1;
	[dreg:$0x2] =	wrdreg s4  }
0x27: {  	[dreg:$0x3] =	wrdreg s5  }
0x28: {  	[dreg:$0x4] =	wrdreg $0xC0  }
0x29: {  	_ =	task [dreg:s8], $0x5FFFF  }
0x2a: {  	[dreg:$0x1] =	wrdreg $0xFFFFFFFF  }
0x2b: {  	[dreg:$0x0] =	wrdreg $0x60  }
0x2c: {  	[dreg:$0x2] =	wrdreg s17  }
0x2d: {  	[dreg:$0x3] =	wrdreg s18  }
0x2e: {  	[dreg:$0x4] =	wrdreg $0x9  }
0x2f: {  	_ =	task.clear_ibuf [dreg:s8], $0x5FFFF;
	_ =	strace $0x90000046  }
0x30: {  	s29 =	simm.s32 $0x9;
	_ =	strace $0x80000048  }
0x31: {  	_ =	swait.ge [sflag:s29], $0x1  }
0x32: {  	[sflag:s29] =	ssyncadd.s32 $0xFFFFFFFF  }
0x33: {  	_ =	strace $0x90000048  }
0x34: {  	_ =	sfence  }
0x35: {  	s30 =	sld [smem:$0x0];
	_ =	sdelay $0x2  }
0x36: {  	s31 =	sshll.u32 s1, $0xD;
	s1 =	sshrl.u32 s1, $0x2  }
0x37: {  	s3 =	sand.u32 $0x4000, s31;
	s1 =	sadd.s32 s1, s30  }
0x38: {  	s0 =	sor.u32 s3, s0;
	s1 =	sshll.u32 s1, $0x11  }
0x39: {  	s0 =	sor.u32 s1, s0  }
0x3a: {  	s0 =	sadd.s32 $0x8F2B, s0  }
0x3b: {  	[sflag:s0] =	ssyncadd.remote.s32 $0x1  }
0x3c: {  	_ =	sfence.sel $0xFFFF  }
0x3d: {  	[dreg:$0x0] =	wrdreg $0xFFFFFFFF;
	(pc) =	sbr.abs _section_cstart, $3  }
0x3e: {  	[dreg:$0x1] =	wrdreg $0xFFFFFFFF  }
0x3f: {  	_ =	task.clear_ibuf [dreg:s8], $0x2FFFF;
	_ =	strace $0x9FFFFFFF  }
0x40: {  	(tm) =	ssettm $0x7FFFFFFF  }
0x41: {  	_ =	shalt  }
tec
execute0_lowered:
.L_overlay_start_1:
0x0: {  	(tag) =	ssettag $0x1  }
0x1: {  	s0 =	stileid.u32;
	s3 =	rddreg [dreg:$0x0]  }
0x2: {  	s1 =	srdreg.scid;
	s4 =	rddreg [dreg:$0x1]  }
0x3: {  	s7 =	simm.s32 $0x1;
	s2 =	sshll.u32 s0, $0x5;
	s1 =	sshll.u32 s1, $0x9  }
0x4: {  	s31 =	simm.s32 $0x2;
	s15 =	simm.s32 $0x0;
	s1 =	sor.u32 s2, s1  }
0x5: {  	s9 =	simm.s32 $0x1000;
	s10 =	simm.s32 $0x0;
	s2 =	sand.u32 $0x380, s1  }
0x6: {  	s16 =	simm.s32 $0x0;
	s17 =	simm.s32 $0x0;
	s5 =	ssub.s32 $0x800, s2  }
0x7: {  	s11 =	simm.s32 $0x0;
	s14 =	simm.s32 $0x0;
	s6 =	sand.u32 $0x380, s5  }
.Ltmp0:
0x8: {  	s1 =	rddreg [dreg:$0x2];
	p0 =	sne.s32 s6, $0x0;
	(pc) =	sbr.rel .LBB1_1-.Ltmp0, $4  }
0x9: {  	_ =	strace $0x80000047;
	s8 =	sshrl.u32 s5, $0xA;
	s7 =	simm.s32 @!p0 $0x0  }
0xa: {  	s12 =	smov.u32 s2;
	s6 =	simm.s32 $0x1;
	s7 =	sadd.s32 s7, s8  }
0xb: {  	s5 =	sand.u32 $0x3, s0;
	[sflag:s6] =	ssyncpa.u1 $0x0;
	s7 =	sshll.u32 s7, $0x3  }
0xc: {  	s13 =	smov.u32 s5;
	[sflag:s31] =	ssyncpa.u1 $0x0;
	s8 =	sor.u32 $0x1, s7  }
.LBB1_4:
0xd: {  	_ =	sdelay $0x3  }
0xe: {  	[tilespmem:v0+s20+$0xFFFFFFA0 ss:$0x1] =	vst.idx.msk $0xffff, v6  }
0xf: {  	v56 =	vld.idx.msk [tilespmem:v1+s19+$0x30 ss:$0x1], $0xffff;
	[tilespmem:v0+s20+$0xFFFFFFB0 ss:$0x1] =	vst.idx.msk $0xffff, v4  }
0x10: {  	v57 =	vld.idx.msk [tilespmem:v1+s19+$0xFFFFFFC0 ss:$0x1], $0xffff;
	[tilespmem:v0+s20+$0xFFFFFFC0 ss:$0x1] =	vst.idx.msk $0xffff, v2  }
0x11: {  	v58 =	vld.idx.msk [tilespmem:v1+s19+$0xFFFFFFD0 ss:$0x1], $0xffff;
	[tilespmem:v0+s20+$0xFFFFFFD0 ss:$0x1] =	vst.idx.msk $0xffff, v3  }
0x12: {  	v59 =	vld.idx.msk [tilespmem:v1+s19+$0xFFFFFFE0 ss:$0x1], $0xffff;
	[tilespmem:v0+s20+$0xFFFFFFE0 ss:$0x1] =	vst.idx.msk $0xffff, v5  }
0x13: {  	v60 =	vld.idx.msk [tilespmem:v1+s19+$0xFFFFFFF0 ss:$0x1], $0xffff;
	[tilespmem:v0+s20+$0xFFFFFFF0 ss:$0x1] =	vst.idx.msk $0xffff, v7  }
0x14: {  	v61 =	vld.idx.msk [tilespmem:v1+s19+$0x0 ss:$0x1], $0xffff;
	[tilespmem:v0+s19+$0x0 ss:$0x1] =	vst.idx.msk $0xffff, v56  }
0x15: {  	v62 =	vld.idx.msk [tilespmem:v1+s19+$0x10 ss:$0x1], $0xffff;
	[tilespmem:v0+s19+$0xFFFFFF90 ss:$0x1] =	vst.idx.msk $0xffff, v57  }
0x16: {  	s17 =	sshll.u32 s17, $0x7;
	v63 =	vld.idx.msk [tilespmem:v1+s19+$0x20 ss:$0x1], $0xffff;
	s28 =	sand.u32 $0x78, s15;
	s21 =	sshll.u32 s15, $0x2;
	[tilespmem:v0+s19+$0xFFFFFFA0 ss:$0x1] =	vst.idx.msk $0xffff, v58  }
0x17: {  	s16 =	sshll.u32 s16, $0x9;
	s30 =	sshrl.u32 s15, $0x1;
	s17 =	sand.u32 $0x180, s17;
	[tilespmem:v0+s19+$0xFFFFFFB0 ss:$0x1] =	vst.idx.msk $0xffff, v59  }
0x18: {  	s31 =	sand.u32 $0x7, s15;
	s29 =	sand.u32 $0x200, s21;
	s17 =	sor.u32 s17, s28;
	[tilespmem:v0+s19+$0xFFFFFFC0 ss:$0x1] =	vst.idx.msk $0xffff, v60  }
0x19: {  	s20 =	sand.u32 $0x180, s30;
	s16 =	sadd.s32 s4, s16;
	s17 =	sor.u32 s29, s17;
	[tilespmem:v0+s19+$0xFFFFFFD0 ss:$0x1] =	vst.idx.msk $0xffff, v61  }
0x1a: {  	s15 =	sshll.u32 s31, $0x12;
	s16 =	sadd.s32 s20, s16;
	s17 =	sshrl.u32 s17, $0x3;
	[tilespmem:v0+s19+$0xFFFFFFE0 ss:$0x1] =	vst.idx.msk $0xffff, v62  }
0x1b: {  	s15 =	sor.u32 $0x80, s15;
	[tilespmem:v0+s19+$0xFFFFFFF0 ss:$0x1] =	vst.idx.msk $0xffff, v63;
	s16 =	sadd.s32 s17, s16  }
0x1c: {  	[hbm4b:s16+s15] =	stream.strided.scatter [tilespmem:s18], [sflag:$0x2], $0x4000, s9, s15, $0x38;
	[tilespmem:$0x10000] =	vst v63  }
.LBB1_5:
0x1d: {  	s18 =	sadd.s32 $0x80, s11  }
0x1e: {  	s15 =	sadd.s32 $0x400, s12;
	s19 =	smov.u32 s12;
	p1 =	sgt.s32 s18, $0x3FF  }
0x1f: {  	s19 =	smov.u32 @p1 s15  }
0x20: {  	s21 =	smov.u32 s13;
	s15 =	sadd.s32 $0x4, s13;
	p2 =	sgt.s32 s19, $0x7FF  }
0x21: {  	s21 =	smov.u32 @p2 s15  }
0x22: {  	s18 =	simm.s32 @p1 $0x0;
	p1 =	sgt.s32 s21, $0x3  }
0x23: {  	p0 =	slt.u32 s14, $0x2;
	s21 =	smov.u32 @p1 s5;
	p1 =	sne.s32 s14, s8  }
.Ltmp1:
0x24: {  	s20 =	simm.s32 @!p0 $0x2;
	(pc) =	sbr.rel @!p1 .LBB1_6-.Ltmp1, $4  }
0x25: {  	s16 =	smov.u32 s12;
	s17 =	smov.u32 s13;
	_ =	swait.ge @!p0 [sflag:s20], $0x4000  }
0x26: {  	s10 =	sadd.s32 $0x4000, s10;
	[sflag:s20] =	ssyncset.done @!p0 $0x0;
	s19 =	smov.u32 @p2 s2  }
0x27: {  	s15 =	smov.u32 s11;
	[sflag:s20] =	ssyncadd.s32 @!p0 $0xFFFFC000;
	s11 =	smov.u32 s18  }
0x28: {  	s12 =	smov.u32 s19;
	s14 =	sadd.s32 $0x1, s14;
	s13 =	smov.u32 s21  }
.LBB1_1:
0x29: {  	p0 =	sge.u32 s14, s7  }
0x2a: {  	s31 =	sadd.s32 $0xFFFFFFFF, s14;
	s18 =	sshll.u32 @!p0 s12, $0x7  }
0x2b: {  	s19 =	sxor.u32 @!p0 $0xFFFFFFFF, s14;
	s20 =	sand.u32 @!p0 $0x78, s11;
	s21 =	sand.u32 @!p0 $0x380, s18  }
0x2c: {  	s19 =	sshll.u32 @!p0 s19, $0xE;
	s20 =	sor.u32 @!p0 s20, s21;
	s21 =	sshll.u32 @!p0 s13, $0x12  }
0x2d: {  	s18 =	sand.u32 @!p0 $0x3FC00, s18;
	s20 =	sshrl.u32 @!p0 s20, $0x3;
	s21 =	sadd.s32 @!p0 s3, s21  }
0x2e: {  	s18 =	sadd.s32 @!p0 s11, s18;
	s20 =	sadd.s32 @!p0 s20, s21;
	s21 =	sand.u32 @!p0 $0x7, s11  }
0x2f: {  	s19 =	sand.u32 @!p0 $0x4000, s19;
	s18 =	sand.u32 @!p0 $0x3FF80, s18;
	s21 =	sshll.u32 @!p0 s21, $0x12  }
0x30: {  	s18 =	sadd.s32 @!p0 s18, s20;
	s20 =	sor.u32 @!p0 $0x400, s21;
	s21 =	simm.s32 @!p0 $0x2000  }
0x31: {  	[tilespmem:s19], [sflag:$0x1] =	stream.strided.gather @!p0 [hbm4b:s18+s20], $0x4000, s21, s20, $0x38;
	[tilespmem:$0x10000] =	vst v63  }
0x32: {  	p0 =	sge.u32 s31, s7  }
.Ltmp2:
0x33: {  	_ = 	snop;
	(pc) =	sbr.rel @p0 .LBB1_5-.Ltmp2, $1  }
0x34: {  	_ =	sdelay $0x3  }
0x35: {  	s18 =	sand.u32 $0x4000, s10  }
0x36: {  	s19 =	sor.u32 $0x40, s18  }
0x37: {  	v1 =	vmov s19;
	_ =	sdelay $0x1  }
0x38: {  	_ =	swait.ge [sflag:s6], $0x4000  }
0x39: {  	[sflag:s6] =	ssyncset.done $0x0  }
0x3a: {  	s20 =	simm.s32 $0x0;
	[sflag:s6] =	ssyncadd.s32 $0xFFFFC000  }
0x3b: {  	s18 =	sor.u32 $0x8070, s18;
	v7 =	vld.idx.msk [tilespmem:v1+s20+$0x30 ss:$0x1], $0xffff  }
0x3c: {  	v0 =	vmov s18;
	v8 =	vld.idx.msk [tilespmem:v1+s20+$0xFFFFFFC0 ss:$0x1], $0xffff  }
0x3d: {  	v6 =	vld.idx.msk [tilespmem:v1+s20+$0xFFFFFFD0 ss:$0x1], $0xffff  }
0x3e: {  	v4 =	vld.idx.msk [tilespmem:v1+s20+$0xFFFFFFE0 ss:$0x1], $0xffff  }
0x3f: {  	v2 =	vld.idx.msk [tilespmem:v1+s20+$0xFFFFFFF0 ss:$0x1], $0xffff  }
0x40: {  	s31 =	sshll.u32 s14, $0xE;
	v3 =	vld.idx.msk [tilespmem:v1+s20+$0x0 ss:$0x1], $0xffff  }
0x41: {  	s18 =	sand.u32 $0x4000, s31;
	v5 =	vld.idx.msk [tilespmem:v1+s20+$0x10 ss:$0x1], $0xffff;
	[tilespmem:v0+s20+$0x0 ss:$0x1] =	vst.idx.msk $0xffff, v7  }
0x42: {  	s21 =	simm.s32 $0x400;
	s19 =	simm.s32 $0x80;
	s18 =	sor.u32 $0x8000, s18;
	[tilespmem:v0+s20+$0xFFFFFF90 ss:$0x1] =	vst.idx.msk $0xffff, v8;
	v7 =	vld.idx.msk [tilespmem:v1+s20+$0x20 ss:$0x1], $0xffff  }
.LBB1_3:
0x43: {  	p0 =	sne.s32 s21, $0xFE00;
	v8 =	vld.idx.msk [tilespmem:v1+s19+$0x30 ss:$0x1], $0xffff;
	[tilespmem:v0+s20+$0xFFFFFFA0 ss:$0x1] =	vst.idx.msk $0xffff, v6  }
0x44: {  	v9 =	vld.idx.msk [tilespmem:v1+s19+$0xFFFFFFC0 ss:$0x1], $0xffff;
	[tilespmem:v0+s20+$0xFFFFFFB0 ss:$0x1] =	vst.idx.msk $0xffff, v4  }
0x45: {  	v6 =	vld.idx.msk [tilespmem:v1+s19+$0xFFFFFFD0 ss:$0x1], $0xffff;
	[tilespmem:v0+s20+$0xFFFFFFC0 ss:$0x1] =	vst.idx.msk $0xffff, v2  }
.Ltmp3:
0x46: {  	v4 =	vld.idx.msk [tilespmem:v1+s19+$0xFFFFFFE0 ss:$0x1], $0xffff;
	[tilespmem:v0+s20+$0xFFFFFFD0 ss:$0x1] =	vst.idx.msk $0xffff, v3;
	(pc) =	sbr.rel @p0 .LBB1_3-.Ltmp3, $4  }
0x47: {  	v2 =	vld.idx.msk [tilespmem:v1+s19+$0xFFFFFFF0 ss:$0x1], $0xffff;
	[tilespmem:v0+s20+$0xFFFFFFE0 ss:$0x1] =	vst.idx.msk $0xffff, v5  }
0x48: {  	v3 =	vld.idx.msk [tilespmem:v1+s19+$0x0 ss:$0x1], $0xffff;
	[tilespmem:v0+s20+$0xFFFFFFF0 ss:$0x1] =	vst.idx.msk $0xffff, v7;
	s20 =	smov.u32 s19  }
0x49: {  	v5 =	vld.idx.msk [tilespmem:v1+s20+$0x10 ss:$0x1], $0xffff;
	[tilespmem:v0+s20+$0x0 ss:$0x1] =	vst.idx.msk $0xffff, v8  }
0x4a: {  	s19 =	sshra.s32 s21, $0x2;
	s21 =	sadd.s32 $0x200, s21;
	[tilespmem:v0+s20+$0xFFFFFF90 ss:$0x1] =	vst.idx.msk $0xffff, v9;
	v7 =	vld.idx.msk [tilespmem:v1+s20+$0x20 ss:$0x1], $0xffff  }
.Ltmp4:
0x4b: {  	_ = 	snop;
	(pc) =	sbr.rel .LBB1_4-.Ltmp4, $1  }
0x4c: {  	_ =	sdelay $0x3  }
.LBB1_6:
0x4d: {  	_ =	sfence.sel $0x180000  }
0x4e: {  	s2 =	simm.s32 $0x1;
	[bflag:$0x0] =	sbarrier.arrive $0xFFFF  }
0x4f: {  	s31 =	simm.s32 $0x2;
	[sflag:s2] =	ssyncpa.u1 $0x1  }
0x50: {  	[sflag:s31] =	ssyncpa.u1 $0x1  }
0x51: {  	p0 =	sne.s32 s0, $0x0;
	_ =	strace $0x90000047  }
0x52: {  	s0 =	sadd.s32 @!p0 $0x100000, s1;
	[bflag:$0x2] =	sbarrier.arrive $0xFFFF  }
0x53: {  	[sflag:s0] =	ssyncadd.tile.s32 @!p0 $0x1;
	_ =	shalt  }
.Lfunc_end1:
_tile_overlayer_lowered:
.L_overlay_start_2:
0x54: {  	(tag) =	ssettag $0x2  }
0x55: {  	s0 =	rddreg [dreg:$0x0];
	s2 =	stileid.u32  }
0x56: {  	s1 =	rddreg [dreg:$0x1];
	p0 =	sne.s32 s2, $0x0  }
0x57: {  	s3 =	rddreg [dreg:$0x2];
	[bflag:$0x3] =	sbarrier.arrive $0xFFFF;
	s2 =	simm.s32 @!p0 $0x1C01  }
0x58: {  	[timem:s3], [sflag:s2] =	dma.local @!p0 [hbm:s0], s1  }
0x59: {  	s0 =	simm.s32 @!p0 $0x1  }
0x5a: {  	_ =	swait.ge @!p0 [sflag:s0], s1  }
0x5b: {  	s1 =	ssub.s32 @!p0 $0x0, s1;
	[sflag:s0] =	ssyncset.done @!p0 $0x0  }
0x5c: {  	[sflag:s0] =	ssyncadd.s32 @!p0 s1  }
0x5d: {  	[bflag:$0x3] =	sbarrier.arrive $0xFFFF  }
0x5e: {  	_ =	shalt  }

// kernel: sparse-core-data-format-call.cloned.1.call-start
scs
called_computation_lowered:
.L_overlay_start_0:
0x0: {  	s2 =	sld [smem:$0x3FD9]  }
0x1: {  	s3 =	sld [smem:$0x3FFE];
	_ =	sdelay $0x1  }
0x2: {  	s1 =	srdreg.scid  }
0x3: {  	s0 =	sand.u32 $0x1, s1  }
0x4: {  	s15 =	sshll.u32 s0, $0xA;
	s2 =	sadd.s32 s3, s2  }
0x5: {  	s2 =	sadd.s32 s2, s15  }
0x6: {  	[smem:$0x3FC6] =	sst s2  }
0x7: {  	_ = 	snop  }
0x8: {  	s2 =	sld [smem:$0x3FD0];
	_ =	sdelay $0x2  }
0x9: {  	s16 =	simm.s32 $0xA;
	s4 =	simm.s32 $0x10  }
0xa: {  	[smem:s4], [sflag:s16] =	dma.local [hbm:s2], $0x1  }
0xb: {  	_ =	swait.eq [sflag:s16], $0x1  }
0xc: {  	[sflag:s16] =	ssyncset.done $0x0  }
0xd: {  	[sflag:s16] =	ssyncadd.s32 $0xFFFFFFFF  }
0xe: {  	s17 =	sld [smem:$0x11];
	(tm) =	ssettm $0x1  }
0xf: {  	s18 =	sld [smem:$0x3FFB];
	_ =	sdelay $0x3  }
0x10: {  	_ =	strace s18  }
0x11: {  	s3 =	sld [smem:$0x3FFC];
	_ =	sdelay $0x3  }
0x12: {  	_ =	strace s3  }
0x13: {  	s3 =	sld [smem:$0x3FFD];
	_ =	sdelay $0x3  }
0x14: {  	_ =	strace s3  }
0x15: {  	_ =	strace $0x8FFFFFFF  }
0x16: {  	s19 =	sld [smem:$0x3FDB];
	_ =	sdelay $0x1  }
0x17: {  	s20 =	simm.s32 $_scs_section_size  }
0x18: {  	s5 =	simm.s32 $_size__tile_overlayer_lowered;
	s6 =	simm.s32 $_tile_overlayer_lowered  }
0x19: {  	s23 =	simm.s32 $0x1BFF;
	s22 =	sshll.u32 s6, $0x1;
	s3 =	sadd.s32 s20, s19  }
0x1a: {  	s7 =	simm.s32 $0x0;
	s21 =	sshll.u32 s5, $0x1;
	s5 =	sadd.s32 s22, s3  }
0x1b: {  	[timem:s7], [sflag:s23] =	dma.local [hbm:s5], s21  }
0x1c: {  	_ =	swait.ge [sflag:s23], s21  }
0x1d: {  	s4 =	ssub.s32 $0x0, s21;
	[sflag:s23] =	ssyncset.done $0x0  }
0x1e: {  	[sflag:s23] =	ssyncadd.s32 s4;
	_ =	sdelay $0x1  }
0x1f: {  	s24 =	simm.s32 $0x1B8B  }
0x20: {  	_ =	swait.ge [sflag:s24], $0x1  }
0x21: {  	[sflag:s24] =	ssyncset.done $0x0  }
0x22: {  	s26 =	simm.s32 $0x1B8E;
	s25 =	sld [smem:$0x3FFE];
	[sflag:s24] =	ssyncadd.s32 $0xFFFFFFFF  }
0x23: {  	s27 =	simm.s32 $execute0_lowered;
	[smem:$0x3FD2] =	sst s26  }
0x24: {  	s5 =	sshll.u32 s27, $0x1;
	_ =	strace $0x8000004C;
	[dreg:$0x1] =	wrdreg $0xFFFFFFFF  }
0x25: {  	s28 =	simm.s32 $_size_execute0_lowered;
	s3 =	sadd.s32 s3, s5;
	[dreg:$0x0] =	wrdreg $0x0  }
0x26: {  	s5 =	sshll.u32 s28, $0x1;
	[dreg:$0x2] =	wrdreg s3  }
0x27: {  	[dreg:$0x3] =	wrdreg s5  }
0x28: {  	[dreg:$0x4] =	wrdreg $0xC0  }
0x29: {  	_ =	task [dreg:s7], $0x5FFFF  }
0x2a: {  	[dreg:$0x1] =	wrdreg $0xFFFFFFFF  }
0x2b: {  	[dreg:$0x0] =	wrdreg $0x60  }
0x2c: {  	[dreg:$0x2] =	wrdreg s25  }
0x2d: {  	[dreg:$0x3] =	wrdreg s17  }
0x2e: {  	[dreg:$0x4] =	wrdreg $0x9  }
0x2f: {  	_ =	task.clear_ibuf [dreg:s7], $0x5FFFF;
	_ =	strace $0x9000004C  }
0x30: {  	s29 =	simm.s32 $0x9;
	_ =	strace $0x8000004E  }
0x31: {  	_ =	swait.ge [sflag:s29], $0x1  }
0x32: {  	[sflag:s29] =	ssyncadd.s32 $0xFFFFFFFF  }
0x33: {  	_ =	strace $0x9000004E  }
0x34: {  	_ =	sfence  }
0x35: {  	s30 =	sld [smem:$0x0];
	_ =	sdelay $0x2  }
0x36: {  	s31 =	sshll.u32 s1, $0xD;
	s1 =	sshrl.u32 s1, $0x2  }
0x37: {  	s3 =	sand.u32 $0x4000, s31;
	s1 =	sadd.s32 s1, s30  }
0x38: {  	s0 =	sor.u32 s3, s0;
	s1 =	sshll.u32 s1, $0x11  }
0x39: {  	s0 =	sor.u32 s1, s0  }
0x3a: {  	s0 =	sadd.s32 $0x8F2B, s0  }
0x3b: {  	[sflag:s0] =	ssyncadd.remote.s32 $0x1  }
0x3c: {  	_ =	sfence.sel $0xFFFF  }
0x3d: {  	[dreg:$0x0] =	wrdreg $0xFFFFFFFF;
	(pc) =	sbr.abs _section_cstart, $3  }
0x3e: {  	[dreg:$0x1] =	wrdreg $0xFFFFFFFF  }
0x3f: {  	_ =	task.clear_ibuf [dreg:s7], $0x2FFFF;
	_ =	strace $0x9FFFFFFF  }
0x40: {  	(tm) =	ssettm $0x7FFFFFFF  }
0x41: {  	_ =	shalt  }
tec
execute0_lowered:
.L_overlay_start_1:
0x0: {  	(tag) =	ssettag $0x1  }
0x1: {  	s5 =	rddreg [dreg:$0x0]  }
0x2: {  	s0 =	srdreg.scid;
	s3 =	rddreg [dreg:$0x1];
	s7 =	simm.s32 $0x1  }
0x3: {  	s8 =	simm.s32 $0x2;
	s14 =	simm.s32 $0x0;
	s1 =	sshll.u32 s0, $0x4  }
0x4: {  	s9 =	simm.s32 $0x0;
	s0 =	stileid.u32;
	s1 =	sand.u32 $0x10, s1  }
0x5: {  	s15 =	simm.s32 $0x0;
	s16 =	simm.s32 $0x0;
	s1 =	sor.u32 s0, s1  }
0x6: {  	s10 =	simm.s32 $0x0;
	s11 =	simm.s32 $0x0;
	s2 =	sshll.u32 s1, $0x3  }
0x7: {  	s13 =	simm.s32 $0x0;
	s5 =	sadd.s32 $0xE00, s5;
	s6 =	ssub.s32 $0x800, s2  }
.Ltmp0:
0x8: {  	s1 =	rddreg [dreg:$0x2];
	s4 =	sand.u32 $0xF8, s6;
	(pc) =	sbr.rel .LBB1_1-.Ltmp0, $4  }
0x9: {  	_ =	strace $0x8000004D;
	p0 =	sne.s32 s4, $0x0;
	s4 =	simm.s32 $0x1  }
0xa: {  	s6 =	sshrl.u32 s6, $0x8;
	s7 =	simm.s32 @!p0 $0x0;
	[sflag:s4] =	ssyncpa.u1 $0x0  }
0xb: {  	s12 =	smov.u32 s2;
	s7 =	sadd.s32 s7, s6;
	[sflag:s8] =	ssyncpa.u1 $0x0  }
0xc: {  	s8 =	simm.s32 $0x200000;
	s6 =	sshll.u32 s7, $0x1;
	s7 =	sshllo.u32 s7, $0x1  }
.LBB1_7:
0xd: {  	s17 =	sadd.s32 $0x200, s10  }
0xe: {  	s14 =	sadd.s32 $0x4, s11;
	s18 =	smov.u32 s11;
	p1 =	sgt.s32 s17, $0x3FF  }
0xf: {  	s18 =	smov.u32 @p1 s14  }
0x10: {  	s20 =	smov.u32 s12;
	s14 =	sadd.s32 $0x100, s12;
	p2 =	sgt.s32 s18, $0x3  }
0x11: {  	s20 =	smov.u32 @p2 s14  }
0x12: {  	s17 =	simm.s32 @p1 $0x0;
	p1 =	sgt.s32 s20, $0x7FF  }
0x13: {  	p0 =	slt.u32 s13, $0x2;
	s20 =	smov.u32 @p1 s2;
	p1 =	sne.s32 s13, s7  }
.Ltmp1:
0x14: {  	s19 =	simm.s32 @!p0 $0x2;
	(pc) =	sbr.rel @!p1 .LBB1_8-.Ltmp1, $4  }
0x15: {  	s15 =	smov.u32 s11;
	s16 =	smov.u32 s12;
	_ =	swait.ge @!p0 [sflag:s19], $0x4000  }
0x16: {  	s9 =	sadd.s32 $0x4000, s9;
	[sflag:s19] =	ssyncset.done @!p0 $0x0;
	s18 =	simm.s32 @p2 $0x0  }
0x17: {  	s14 =	smov.u32 s10;
	[sflag:s19] =	ssyncadd.s32 @!p0 $0xFFFFC000;
	s10 =	smov.u32 s17  }
0x18: {  	s11 =	smov.u32 s18;
	s13 =	sadd.s32 $0x1, s13;
	s12 =	smov.u32 s20  }
.LBB1_1:
0x19: {  	p0 =	sge.u32 s13, s6  }
0x1a: {  	s17 =	sshll.u32 @!p0 s11, $0x7  }
0x1b: {  	s18 =	sand.u32 @!p0 $0x78, s10;
	s19 =	sshll.u32 @!p0 s10, $0x2;
	s17 =	sand.u32 @!p0 $0x180, s17  }
0x1c: {  	s31 =	sadd.s32 $0xFFFFFFFF, s13;
	s19 =	sand.u32 @!p0 $0x200, s19;
	s17 =	sor.u32 @!p0 s17, s18  }
0x1d: {  	s18 =	sshll.u32 @!p0 s12, $0x9;
	s17 =	sor.u32 @!p0 s19, s17;
	s19 =	sshrl.u32 @!p0 s10, $0x1  }
0x1e: {  	s20 =	sxor.u32 @!p0 $0xFFFFFFFF, s13;
	s18 =	sadd.s32 @!p0 s5, s18;
	s19 =	sand.u32 @!p0 $0x180, s19  }
0x1f: {  	s20 =	sshll.u32 @!p0 s20, $0xE;
	s18 =	sadd.s32 @!p0 s19, s18;
	s19 =	sand.u32 @!p0 $0x7, s10  }
0x20: {  	s20 =	sand.u32 @!p0 $0x4000, s20;
	s17 =	sshrl.u32 @!p0 s17, $0x3;
	s19 =	sshll.u32 @!p0 s19, $0x12  }
0x21: {  	s17 =	sadd.s32 @!p0 s17, s18;
	s18 =	sor.u32 @!p0 $0x800, s19;
	s19 =	simm.s32 @!p0 $0x1000  }
0x22: {  	[tilespmem:s20], [sflag:$0x1] =	stream.strided.gather @!p0 [hbm4b:s17+s18], $0x4000, s19, s18, $0x38;
	[tilespmem:$0x10000] =	vst v63  }
0x23: {  	p0 =	sge.u32 s31, s6  }
.Ltmp2:
0x24: {  	_ = 	snop;
	(pc) =	sbr.rel @p0 .LBB1_7-.Ltmp2, $1  }
0x25: {  	_ =	sdelay $0x3  }
0x26: {  	s17 =	sshll.u32 s9, $0x2;
	_ =	swait.ge [sflag:s4], $0x4000;
	s31 =	sshll.u32 s13, $0xE  }
0x27: {  	s21 =	simm.s32 $0x0;
	s22 =	simm.s32 $0x0;
	s17 =	sand.u32 $0x10000, s17  }
0x28: {  	s23 =	simm.s32 $0x0;
	[sflag:s4] =	ssyncset.done $0x0;
	s20 =	sshrl.u32 s17, $0x2  }
0x29: {  	s17 =	sand.u32 $0x4000, s31;
	[sflag:s4] =	ssyncadd.s32 $0xFFFFC000;
	s18 =	sor.u32 $0x400, s20  }
0x2a: {  	s19 =	sor.u32 $0x8000, s20;
	s17 =	sor.u32 $0x8000, s17;
	s20 =	sadd.s32 $0x8C00, s20  }
.LBB1_3:
0x2b: {  	v0 =	vmov s19;
	v1 =	vld [tilespmem:s18+$0x270]  }
0x2c: {  	v2 =	vld [tilespmem:s18+$0xFFFFFC10]  }
0x2d: {  	v3 =	vld [tilespmem:s18+$0xFFFFFC20]  }
0x2e: {  	s24 =	sshll.u32 s22, $0x2;
	s25 =	sand.u32 $0x3, s21;
	v4 =	vld [tilespmem:s18+$0xFFFFFC30]  }
0x2f: {  	v5 =	vld [tilespmem:s18+$0xFFFFFC40];
	s26 =	sand.u32 $0xFFFFF800, s24;
	s25 =	sshll.u32 s25, $0x9;
	s24 =	simm.s32 $0x0  }
0x30: {  	v6 =	vld [tilespmem:s18+$0xFFFFFC50];
	s25 =	sor.u32 s25, s26;
	[tilespmem:v0+s24+$0xC70 ss:$0x1] =	vst.idx.msk $0xffff, v1  }
0x31: {  	v7 =	vld [tilespmem:s18+$0x220];
	s25 =	sshrl.u32 s25, $0x2;
	[tilespmem:v0+s24+$0x10 ss:$0x1] =	vst.idx.msk $0xffff, v2  }
0x32: {  	v8 =	vld [tilespmem:s18+$0x230];
	s25 =	sadd.s32 s25, s20;
	[tilespmem:v0+s24+$0x20 ss:$0x1] =	vst.idx.msk $0xffff, v3  }
0x33: {  	v1 =	vmov s25;
	[tilespmem:v0+s24+$0x30 ss:$0x1] =	vst.idx.msk $0xffff, v4;
	v4 =	vld [tilespmem:s18+$0xFFFFFE00]  }
0x34: {  	[tilespmem:v0+s24+$0x40 ss:$0x1] =	vst.idx.msk $0xffff, v5;
	v5 =	vld [tilespmem:s18+$0xFFFFFE10]  }
0x35: {  	[tilespmem:v0+s24+$0x50 ss:$0x1] =	vst.idx.msk $0xffff, v6;
	v6 =	vld [tilespmem:s18+$0xFFFFFE20]  }
0x36: {  	v2 =	vld [tilespmem:s18+$0xFFFFFC60];
	[tilespmem:v0+s24+$0xC20 ss:$0x1] =	vst.idx.msk $0xffff, v7  }
0x37: {  	v3 =	vld [tilespmem:s18+$0xFFFFFC70];
	[tilespmem:v0+s24+$0xC30 ss:$0x1] =	vst.idx.msk $0xffff, v8  }
0x38: {  	[tilespmem:v1+s24+$0xFFFFF800 ss:$0x1] =	vst.idx.msk $0xffff, v4;
	v4 =	vld [tilespmem:s18+$0xFFFFFE50]  }
0x39: {  	[tilespmem:v0+s24+$0x410 ss:$0x1] =	vst.idx.msk $0xffff, v5;
	v5 =	vld [tilespmem:s18+$0xFFFFFE60]  }
0x3a: {  	[tilespmem:v0+s24+$0x420 ss:$0x1] =	vst.idx.msk $0xffff, v6;
	v6 =	vld [tilespmem:s18+$0xFFFFFE70]  }
0x3b: {  	[tilespmem:v0+s24+$0x60 ss:$0x1] =	vst.idx.msk $0xffff, v2;
	v2 =	vld [tilespmem:s18+$0xFFFFFE30]  }
0x3c: {  	[tilespmem:v0+s24+$0x70 ss:$0x1] =	vst.idx.msk $0xffff, v3;
	v3 =	vld [tilespmem:s18+$0xFFFFFE40]  }
0x3d: {  	[tilespmem:v0+s24+$0x450 ss:$0x1] =	vst.idx.msk $0xffff, v4;
	v4 =	vld [tilespmem:s18+$0x20]  }
0x3e: {  	[tilespmem:v0+s24+$0x460 ss:$0x1] =	vst.idx.msk $0xffff, v5;
	v5 =	vld [tilespmem:s18+$0x30]  }
0x3f: {  	[tilespmem:v0+s24+$0x470 ss:$0x1] =	vst.idx.msk $0xffff, v6;
	v6 =	vld [tilespmem:s18+$0x40]  }
0x40: {  	[tilespmem:v0+s24+$0x430 ss:$0x1] =	vst.idx.msk $0xffff, v2;
	v2 =	vld [tilespmem:s18+$0x0]  }
0x41: {  	[tilespmem:v0+s24+$0x440 ss:$0x1] =	vst.idx.msk $0xffff, v3;
	v3 =	vld [tilespmem:s18+$0x10]  }
0x42: {  	[tilespmem:v0+s24+$0x820 ss:$0x1] =	vst.idx.msk $0xffff, v4;
	v4 =	vld [tilespmem:s18+$0x70]  }
0x43: {  	[tilespmem:v0+s24+$0x830 ss:$0x1] =	vst.idx.msk $0xffff, v5;
	v5 =	vld [tilespmem:s18+$0x200]  }
0x44: {  	[tilespmem:v0+s24+$0x840 ss:$0x1] =	vst.idx.msk $0xffff, v6;
	v6 =	vld [tilespmem:s18+$0x210]  }
0x45: {  	[tilespmem:v1+s24+$0xFFFFFC00 ss:$0x1] =	vst.idx.msk $0xffff, v2;
	v2 =	vld [tilespmem:s18+$0x50]  }
0x46: {  	[tilespmem:v0+s24+$0x810 ss:$0x1] =	vst.idx.msk $0xffff, v3;
	v3 =	vld [tilespmem:s18+$0x60]  }
0x47: {  	[tilespmem:v0+s24+$0x870 ss:$0x1] =	vst.idx.msk $0xffff, v4;
	v4 =	vld [tilespmem:s18+$0x240]  }
0x48: {  	[tilespmem:v1+s24+$0x0 ss:$0x1] =	vst.idx.msk $0xffff, v5;
	v5 =	vld [tilespmem:s18+$0x250]  }
0x49: {  	[tilespmem:v0+s24+$0xC10 ss:$0x1] =	vst.idx.msk $0xffff, v6;
	v6 =	vld [tilespmem:s18+$0x260]  }
0x4a: {  	s25 =	sadd.s32 $0x80, s18;
	[tilespmem:v0+s24+$0x850 ss:$0x1] =	vst.idx.msk $0xffff, v2;
	v2 =	vld [tilespmem:s18+$0xFFFFFC00]  }
0x4b: {  	s27 =	simm.s32 $0x8000;
	s26 =	simm.s32 $0x4000;
	[tilespmem:v0+s24+$0x860 ss:$0x1] =	vst.idx.msk $0xffff, v3;
	v3 =	vld [tilespmem:s25+$0x270]  }
.LBB1_4:
0x4c: {  	p0 =	sne.s32 s27, $0xC000;
	v7 =	vld [tilespmem:s25+$0xFFFFFC10];
	[tilespmem:v0+s24+$0xC40 ss:$0x1] =	vst.idx.msk $0xffff, v4  }
0x4d: {  	v4 =	vld [tilespmem:s25+$0xFFFFFC20];
	[tilespmem:v0+s24+$0xC50 ss:$0x1] =	vst.idx.msk $0xffff, v5  }
0x4e: {  	v5 =	vld [tilespmem:s25+$0xFFFFFC30];
	[tilespmem:v0+s24+$0xC60 ss:$0x1] =	vst.idx.msk $0xffff, v6  }
0x4f: {  	v6 =	vld [tilespmem:s25+$0xFFFFFC40];
	[tilespmem:v0+s24+$0x0 ss:$0x1] =	vst.idx.msk $0xffff, v2;
	s24 =	sshra.s32 s26, $0x2;
	s26 =	smov.u32 s27  }
0x50: {  	v2 =	vld [tilespmem:s25+$0xFFFFFC50];
	[tilespmem:v0+s24+$0xC70 ss:$0x1] =	vst.idx.msk $0xffff, v3  }
0x51: {  	[tilespmem:v0+s24+$0x10 ss:$0x1] =	vst.idx.msk $0xffff, v7;
	v3 =	vld [tilespmem:s25+$0xFFFFFC60]  }
0x52: {  	[tilespmem:v0+s24+$0x20 ss:$0x1] =	vst.idx.msk $0xffff, v4;
	v4 =	vld [tilespmem:s25+$0xFFFFFC70]  }
0x53: {  	[tilespmem:v0+s24+$0x30 ss:$0x1] =	vst.idx.msk $0xffff, v5;
	v5 =	vld [tilespmem:s25+$0xFFFFFE00]  }
0x54: {  	[tilespmem:v0+s24+$0x40 ss:$0x1] =	vst.idx.msk $0xffff, v6;
	v6 =	vld [tilespmem:s25+$0xFFFFFE10]  }
0x55: {  	[tilespmem:v0+s24+$0x50 ss:$0x1] =	vst.idx.msk $0xffff, v2;
	v2 =	vld [tilespmem:s25+$0xFFFFFE20]  }
0x56: {  	[tilespmem:v0+s24+$0x60 ss:$0x1] =	vst.idx.msk $0xffff, v3;
	v3 =	vld [tilespmem:s25+$0xFFFFFE30]  }
0x57: {  	[tilespmem:v0+s24+$0x70 ss:$0x1] =	vst.idx.msk $0xffff, v4;
	v4 =	vld [tilespmem:s25+$0xFFFFFE40]  }
0x58: {  	[tilespmem:v1+s24+$0xFFFFF800 ss:$0x1] =	vst.idx.msk $0xffff, v5;
	v5 =	vld [tilespmem:s25+$0xFFFFFE50]  }
0x59: {  	[tilespmem:v0+s24+$0x410 ss:$0x1] =	vst.idx.msk $0xffff, v6;
	v6 =	vld [tilespmem:s25+$0xFFFFFE60]  }
0x5a: {  	[tilespmem:v0+s24+$0x420 ss:$0x1] =	vst.idx.msk $0xffff, v2;
	v2 =	vld [tilespmem:s25+$0xFFFFFE70]  }
0x5b: {  	[tilespmem:v0+s24+$0x430 ss:$0x1] =	vst.idx.msk $0xffff, v3;
	v3 =	vld [tilespmem:s25+$0x0]  }
0x5c: {  	[tilespmem:v0+s24+$0x440 ss:$0x1] =	vst.idx.msk $0xffff, v4;
	v4 =	vld [tilespmem:s25+$0x10]  }
0x5d: {  	[tilespmem:v0+s24+$0x450 ss:$0x1] =	vst.idx.msk $0xffff, v5;
	v5 =	vld [tilespmem:s25+$0x20]  }
0x5e: {  	[tilespmem:v0+s24+$0x460 ss:$0x1] =	vst.idx.msk $0xffff, v6;
	v6 =	vld [tilespmem:s25+$0x30]  }
0x5f: {  	[tilespmem:v0+s24+$0x470 ss:$0x1] =	vst.idx.msk $0xffff, v2;
	v2 =	vld [tilespmem:s25+$0x40]  }
0x60: {  	[tilespmem:v1+s24+$0xFFFFFC00 ss:$0x1] =	vst.idx.msk $0xffff, v3;
	v3 =	vld [tilespmem:s25+$0x50]  }
0x61: {  	[tilespmem:v0+s24+$0x810 ss:$0x1] =	vst.idx.msk $0xffff, v4;
	v4 =	vld [tilespmem:s25+$0x60]  }
0x62: {  	[tilespmem:v0+s24+$0x820 ss:$0x1] =	vst.idx.msk $0xffff, v5;
	v5 =	vld [tilespmem:s25+$0x70]  }
0x63: {  	[tilespmem:v0+s24+$0x830 ss:$0x1] =	vst.idx.msk $0xffff, v6;
	v6 =	vld [tilespmem:s25+$0x200]  }
0x64: {  	[tilespmem:v0+s24+$0x840 ss:$0x1] =	vst.idx.msk $0xffff, v2;
	v2 =	vld [tilespmem:s25+$0x210]  }
0x65: {  	[tilespmem:v0+s24+$0x850 ss:$0x1] =	vst.idx.msk $0xffff, v3;
	v3 =	vld [tilespmem:s25+$0x220]  }
0x66: {  	[tilespmem:v0+s24+$0x860 ss:$0x1] =	vst.idx.msk $0xffff, v4;
	v7 =	vld [tilespmem:s25+$0x230]  }
.Ltmp3:
0x67: {  	[tilespmem:v0+s24+$0x870 ss:$0x1] =	vst.idx.msk $0xffff, v5;
	v4 =	vld [tilespmem:s25+$0x240];
	(pc) =	sbr.rel @p0 .LBB1_4-.Ltmp3, $4  }
0x68: {  	[tilespmem:v1+s24+$0x0 ss:$0x1] =	vst.idx.msk $0xffff, v6;
	v5 =	vld [tilespmem:s25+$0x250]  }
0x69: {  	[tilespmem:v0+s24+$0xC10 ss:$0x1] =	vst.idx.msk $0xffff, v2;
	v6 =	vld [tilespmem:s25+$0x260]  }
0x6a: {  	v2 =	vld [tilespmem:s25+$0xFFFFFC00];
	[tilespmem:v0+s24+$0xC20 ss:$0x1] =	vst.idx.msk $0xffff, v3;
	s25 =	sadd.s32 $0x80, s25  }
0x6b: {  	s27 =	sadd.s32 $0x4000, s27;
	v3 =	vld [tilespmem:s25+$0x270];
	[tilespmem:v0+s24+$0xC30 ss:$0x1] =	vst.idx.msk $0xffff, v7  }
0x6c: {  	_ =	sdelay $0x3  }
0x6d: {  	v7 =	vld [tilespmem:s25+$0xFFFFFC10];
	[tilespmem:v0+s24+$0xC40 ss:$0x1] =	vst.idx.msk $0xffff, v4  }
0x6e: {  	v34 =	vld [tilespmem:s25+$0xFFFFFC20];
	[tilespmem:v0+s24+$0xC50 ss:$0x1] =	vst.idx.msk $0xffff, v5  }
0x6f: {  	v35 =	vld [tilespmem:s25+$0xFFFFFC30];
	[tilespmem:v0+s24+$0xC60 ss:$0x1] =	vst.idx.msk $0xffff, v6  }
0x70: {  	s26 =	sshra.s32 s26, $0x2;
	v36 =	vld [tilespmem:s25+$0xFFFFFC40];
	[tilespmem:v0+s24+$0x0 ss:$0x1] =	vst.idx.msk $0xffff, v2  }
0x71: {  	v37 =	vld [tilespmem:s25+$0xFFFFFC50];
	[tilespmem:v0+s26+$0xC70 ss:$0x1] =	vst.idx.msk $0xffff, v3  }
0x72: {  	v38 =	vld [tilespmem:s25+$0xFFFFFC60];
	[tilespmem:v0+s26+$0x10 ss:$0x1] =	vst.idx.msk $0xffff, v7  }
0x73: {  	v39 =	vld [tilespmem:s25+$0xFFFFFC70];
	[tilespmem:v0+s26+$0x20 ss:$0x1] =	vst.idx.msk $0xffff, v34  }
0x74: {  	v40 =	vld [tilespmem:s25+$0xFFFFFE00];
	[tilespmem:v0+s26+$0x30 ss:$0x1] =	vst.idx.msk $0xffff, v35  }
0x75: {  	v41 =	vld [tilespmem:s25+$0xFFFFFE10];
	[tilespmem:v0+s26+$0x40 ss:$0x1] =	vst.idx.msk $0xffff, v36  }
0x76: {  	v42 =	vld [tilespmem:s25+$0xFFFFFE20];
	[tilespmem:v0+s26+$0x50 ss:$0x1] =	vst.idx.msk $0xffff, v37  }
0x77: {  	v43 =	vld [tilespmem:s25+$0xFFFFFE30];
	[tilespmem:v0+s26+$0x60 ss:$0x1] =	vst.idx.msk $0xffff, v38  }
0x78: {  	v44 =	vld [tilespmem:s25+$0xFFFFFE40];
	[tilespmem:v0+s26+$0x70 ss:$0x1] =	vst.idx.msk $0xffff, v39  }
0x79: {  	v45 =	vld [tilespmem:s25+$0xFFFFFE50];
	[tilespmem:v1+s26+$0xFFFFF800 ss:$0x1] =	vst.idx.msk $0xffff, v40  }
0x7a: {  	v46 =	vld [tilespmem:s25+$0xFFFFFE60];
	[tilespmem:v0+s26+$0x410 ss:$0x1] =	vst.idx.msk $0xffff, v41  }
0x7b: {  	v47 =	vld [tilespmem:s25+$0xFFFFFE70];
	[tilespmem:v0+s26+$0x420 ss:$0x1] =	vst.idx.msk $0xffff, v42  }
0x7c: {  	v48 =	vld [tilespmem:s25+$0x0];
	[tilespmem:v0+s26+$0x430 ss:$0x1] =	vst.idx.msk $0xffff, v43  }
0x7d: {  	v49 =	vld [tilespmem:s25+$0x10];
	[tilespmem:v0+s26+$0x440 ss:$0x1] =	vst.idx.msk $0xffff, v44  }
0x7e: {  	v50 =	vld [tilespmem:s25+$0x20];
	[tilespmem:v0+s26+$0x450 ss:$0x1] =	vst.idx.msk $0xffff, v45  }
0x7f: {  	v51 =	vld [tilespmem:s25+$0x30];
	[tilespmem:v0+s26+$0x460 ss:$0x1] =	vst.idx.msk $0xffff, v46  }
0x80: {  	v52 =	vld [tilespmem:s25+$0x40];
	[tilespmem:v0+s26+$0x470 ss:$0x1] =	vst.idx.msk $0xffff, v47  }
0x81: {  	v53 =	vld [tilespmem:s25+$0x50];
	[tilespmem:v1+s26+$0xFFFFFC00 ss:$0x1] =	vst.idx.msk $0xffff, v48  }
0x82: {  	v54 =	vld [tilespmem:s25+$0x60];
	[tilespmem:v0+s26+$0x810 ss:$0x1] =	vst.idx.msk $0xffff, v49  }
0x83: {  	v55 =	vld [tilespmem:s25+$0x70];
	[tilespmem:v0+s26+$0x820 ss:$0x1] =	vst.idx.msk $0xffff, v50  }
0x84: {  	v56 =	vld [tilespmem:s25+$0x200];
	[tilespmem:v0+s26+$0x830 ss:$0x1] =	vst.idx.msk $0xffff, v51  }
0x85: {  	v57 =	vld [tilespmem:s25+$0x210];
	[tilespmem:v0+s26+$0x840 ss:$0x1] =	vst.idx.msk $0xffff, v52  }
0x86: {  	v58 =	vld [tilespmem:s25+$0x220];
	[tilespmem:v0+s26+$0x850 ss:$0x1] =	vst.idx.msk $0xffff, v53  }
0x87: {  	v59 =	vld [tilespmem:s25+$0x230];
	[tilespmem:v0+s26+$0x860 ss:$0x1] =	vst.idx.msk $0xffff, v54  }
0x88: {  	v60 =	vld [tilespmem:s25+$0x240];
	[tilespmem:v0+s26+$0x870 ss:$0x1] =	vst.idx.msk $0xffff, v55  }
0x89: {  	v61 =	vld [tilespmem:s25+$0x250];
	[tilespmem:v1+s26+$0x0 ss:$0x1] =	vst.idx.msk $0xffff, v56  }
0x8a: {  	v62 =	vld [tilespmem:s25+$0x260];
	s23 =	sadd.s32 $0x1, s23;
	[tilespmem:v0+s26+$0xC10 ss:$0x1] =	vst.idx.msk $0xffff, v57  }
0x8b: {  	v63 =	vld [tilespmem:s25+$0xFFFFFC00];
	p0 =	sne.s32 s23, $0x8;
	[tilespmem:v0+s26+$0xC20 ss:$0x1] =	vst.idx.msk $0xffff, v58  }
.Ltmp4:
0x8c: {  	[tilespmem:v0+s26+$0xC30 ss:$0x1] =	vst.idx.msk $0xffff, v59;
	(pc) =	sbr.rel @p0 .LBB1_3-.Ltmp4, $4  }
0x8d: {  	[tilespmem:v0+s26+$0xC40 ss:$0x1] =	vst.idx.msk $0xffff, v60  }
0x8e: {  	[tilespmem:v0+s26+$0xC50 ss:$0x1] =	vst.idx.msk $0xffff, v61  }
0x8f: {  	s18 =	sadd.s32 $0x800, s18;
	[tilespmem:v0+s26+$0xC60 ss:$0x1] =	vst.idx.msk $0xffff, v62  }
0x90: {  	s22 =	sadd.s32 $0x80, s22;
	s21 =	sadd.s32 $0x1, s21;
	s19 =	sadd.s32 $0x80, s19;
	[tilespmem:v0+s26+$0x0 ss:$0x1] =	vst.idx.msk $0xffff, v63  }
0x91: {  	s16 =	sshll.u32 s16, $0x7;
	s18 =	sand.u32 $0x78, s14  }
0x92: {  	s15 =	sshll.u32 s15, $0x12;
	s31 =	sand.u32 $0x7, s14;
	s19 =	sand.u32 $0x380, s16  }
.Ltmp5:
0x93: {  	s16 =	sand.u32 $0x3FC00, s16;
	s18 =	sor.u32 s19, s18;
	(pc) =	sbr.rel .LBB1_7-.Ltmp5, $4  }
0x94: {  	s15 =	sadd.s32 s3, s15;
	s16 =	sadd.s32 s14, s16;
	s18 =	sshrl.u32 s18, $0x3  }
0x95: {  	s14 =	sshll.u32 s31, $0x12;
	s16 =	sand.u32 $0x3FF80, s16;
	s15 =	sadd.s32 s18, s15  }
0x96: {  	s14 =	sor.u32 $0x1000, s14;
	s15 =	sadd.s32 s16, s15  }
0x97: {  	[hbm4b:s15+s14] =	stream.strided.scatter [tilespmem:s17], [sflag:$0x2], $0x4000, s8, s14, $0x38;
	[tilespmem:$0x10000] =	vst v63  }
.LBB1_8:
0x98: {  	_ =	sfence.sel $0x180000  }
0x99: {  	s2 =	simm.s32 $0x1;
	[bflag:$0x0] =	sbarrier.arrive $0xFFFF  }
0x9a: {  	s31 =	simm.s32 $0x2;
	[sflag:s2] =	ssyncpa.u1 $0x1  }
0x9b: {  	[sflag:s31] =	ssyncpa.u1 $0x1  }
0x9c: {  	p0 =	sne.s32 s0, $0x0;
	_ =	strace $0x9000004D  }
0x9d: {  	s0 =	sadd.s32 @!p0 $0x100000, s1;
	[bflag:$0x2] =	sbarrier.arrive $0xFFFF  }
0x9e: {  	[sflag:s0] =	ssyncadd.tile.s32 @!p0 $0x1;
	_ =	shalt  }
.Lfunc_end1:
_tile_overlayer_lowered:
.L_overlay_start_2:
0x9f: {  	(tag) =	ssettag $0x2  }
0xa0: {  	s0 =	rddreg [dreg:$0x0];
	s2 =	stileid.u32  }
0xa1: {  	s1 =	rddreg [dreg:$0x1];
	p0 =	sne.s32 s2, $0x0  }
0xa2: {  	s3 =	rddreg [dreg:$0x2];
	[bflag:$0x3] =	sbarrier.arrive $0xFFFF;
	s2 =	simm.s32 @!p0 $0x1C01  }
0xa3: {  	[timem:s3], [sflag:s2] =	dma.local @!p0 [hbm:s0], s1  }
0xa4: {  	s0 =	simm.s32 @!p0 $0x1  }
0xa5: {  	_ =	swait.ge @!p0 [sflag:s0], s1  }
0xa6: {  	s1 =	ssub.s32 @!p0 $0x0, s1;
	[sflag:s0] =	ssyncset.done @!p0 $0x0  }
0xa7: {  	[sflag:s0] =	ssyncadd.s32 @!p0 s1  }
0xa8: {  	[bflag:$0x3] =	sbarrier.arrive $0xFFFF  }
0xa9: {  	_ =	shalt  }

</sc_bundles>
